<compile_context>
chip_gen: v7x
topology: tpu7x:2x2x1
jax: 0.10.2.dev20260603
libtpu: 0.0.44.dev20260713+nightly
codegen_flags: <defaults>
</compile_context>

<pallas_src>
import functools

import jax
import jax.numpy as jnp
from jax import lax
from jax.experimental import pallas as pl
from jax.experimental.pallas import tpu as pltpu
from jax.experimental.pallas import tpu_sc as plsc

_CHUNKS = 4
_G = 128

_NC, _NS = 2, 16
_NW = _NC * _NS


def _vq_idx_kernel(z_ref, dic_ref, idx_ref):
    dic = dic_ref[...]
    k, d = dic.shape
    n = z_ref.shape[0]
    ones = jnp.ones((1, d), jnp.float32)
    d2 = jax.lax.dot_general(
        ones, dic * dic, (((1,), (1,)), ((), ())),
        precision=jax.lax.Precision.HIGHEST,
        preferred_element_type=jnp.float32)
    c = n // _CHUNKS
    dic_bf = dic.astype(jnp.bfloat16)
    giota = jax.lax.broadcasted_iota(
        jnp.int32, (c, _G), 1).astype(jnp.float32)
    for h in range(_CHUNKS):
        z = z_ref[h * c:(h + 1) * c, :]
        cross = jax.lax.dot_general(
            z.astype(jnp.bfloat16), dic_bf, (((1,), (1,)), ((), ())),
            precision=jax.lax.Precision.DEFAULT,
            preferred_element_type=jnp.float32)
        z2 = jnp.sum(z * z, axis=1, keepdims=True)
        vacc = (d2[:, :_G] + z2) - 2.0 * cross[:, :_G]
        iacc = giota
        for g in range(1, k // _G):
            dist_g = (d2[:, g * _G:(g + 1) * _G] + z2) \
                - 2.0 * cross[:, g * _G:(g + 1) * _G]
            lt = dist_g < vacc
            iacc = jnp.where(lt, giota + float(g * _G), iacc)
            vacc = jnp.minimum(vacc, dist_g)
        minval = jnp.min(vacc, axis=1, keepdims=True)
        idx = jnp.min(jnp.where(vacc == minval, iacc, float(k)), axis=1,
                      keepdims=True)
        idx_ref[h * c:(h + 1) * c, :] = idx.astype(jnp.int32)


def _make_sc_gather(v, d, b):
    b_per_w = b // _NW
    mesh = plsc.VectorSubcoreMesh(core_axis_name="c", subcore_axis_name="s")

    @functools.partial(
        pl.kernel, mesh=mesh,
        out_type=jax.ShapeDtypeStruct((b, d), jnp.float32),
        scratch_types=[
            pltpu.VMEM((b_per_w,), jnp.int32),
            pltpu.VMEM((b_per_w, d), jnp.float32),
            pltpu.SemaphoreType.DMA,
        ],
    )
    def sc_gather(table_hbm, idx_hbm, out_hbm, idx_v, rows_v, sem):
        wid = lax.axis_index("s") * _NC + lax.axis_index("c")
        base = wid * b_per_w
        pltpu.sync_copy(idx_hbm.at[pl.ds(base, b_per_w)], idx_v)
        pltpu.async_copy(table_hbm.at[idx_v], rows_v, sem).wait()
        pltpu.sync_copy(rows_v, out_hbm.at[pl.ds(base, b_per_w)])

    return sc_gather


def kernel(ze, dictionary):
    b, t, d = ze.shape
    n = b * t
    k = dictionary.shape[0]
    z = ze.reshape(n, d)
    idx = pl.pallas_call(
        _vq_idx_kernel,
        grid=(1,),
        in_specs=[
            pl.BlockSpec((n, d), lambda i: (0, 0)),
            pl.BlockSpec((k, d), lambda i: (0, 0)),
        ],
        out_specs=pl.BlockSpec((n, 1), lambda i: (0, 0)),
        out_shape=jax.ShapeDtypeStruct((n, 1), jnp.int32),
    )(z, dictionary)
    out = _make_sc_gather(k, d, n)(dictionary, idx.reshape(n))
    return out.reshape(b, t, d)

# --- scband reference (transcript-rebuilt; emitter-appended) ---
"""Pipeline reference for scband-conditional-vqvae-embedding-space-net-13477607374899 (READ-ONLY COPY).

The authoritative reference and input builder live on the scoring server;
editing this copy changes nothing except your own understanding.
"""

import jax, jax.numpy as jnp
import numpy as np

B, T, K, D = 2, 1024, 1024, 256

def setup_inputs(seed: int = 0) -> dict:
    key = jax.random.key(seed)
    k1, k2 = jax.random.split(key)
    ze = jax.random.normal(k1, (B, T, D), dtype=jnp.float32)
    # learned codebook (Parameter init: normal mean=0, std=std_init=1.0)
    dictionary = jax.random.normal(k2, (K, D), dtype=jnp.float32) * 1.0
    return {"ze": ze, "dictionary": dictionary}

def reference(ze, dictionary):
    # code2latent: argmin_k ||dictionary[k] - ze[b,t]||^2 over codebook dim
    # Expanded form (mathematically identical to ((d - ze)**2).sum(-1)):
    # ||d||^2 + ||z||^2 - 2 d.z  -> shape [B, K, T], matching torch broadcast layout
    d2 = jnp.sum(dictionary ** 2, axis=1)            # [K]
    z2 = jnp.sum(ze ** 2, axis=-1)                   # [B, T]
    cross = jnp.einsum('btd,kd->bkt', ze, dictionary)  # [B, K, T]
    dist = d2[None, :, None] + z2[:, None, :] - 2.0 * cross  # [B, K, T]
    z = jnp.argmin(dist, axis=1)                     # [B, T] int
    # e = dictionary[z.view(-1), :].view(B, T, -1)
    e = jnp.take(dictionary, z.reshape(-1), axis=0).reshape(z.shape[0], z.shape[1], -1)
    return e

if __name__ == "__main__":
    import jax
    _d = setup_inputs()
    print(jax.jit(kernel)(*tuple(_d.values())))

</pallas_src>

<mosaic_0001>
#map = affine_map<(d0, d1) -> (0, 0)>
#map1 = affine_map<(d0, d1) -> (0)>
module attributes {stable_mosaic.version = 14 : i64} {
  func.func @sc_gather(%arg0: i32, %arg1: i32, %arg2: memref<1024x256xf32, #tpu.memory_space<hbm>>, %arg3: memref<2048xi32, #tpu.memory_space<hbm>>, %arg4: memref<2048x256xf32, #tpu.memory_space<hbm>>, %arg5: memref<64xi32, #tpu.memory_space<vmem>>, %arg6: memref<64x256xf32, #tpu.memory_space<vmem>>, %arg7: memref<!tpu.dma_semaphore, #tpu.memory_space<semaphore_mem>>) attributes {dimension_semantics = [#tpu.dimension_semantics<core_parallel>, #tpu.dimension_semantics<subcore_parallel>], iteration_bounds = array<i64: 2, 16>, scalar_prefetch = 0 : i64, scratch_operands = 3 : i64, tpu.core_type = #tpu.core_type<sc_vector_subcore>, window_params = [{transform_indices = #map}, {transform_indices = #map1}, {transform_indices = #map}]} {
    %mul3A = arith.constant 2 : i32
    %mul3A_0 = arith.muli %arg1, %mul3A : i32
    %add3A = arith.addi %mul3A_0, %arg0 : i32
    %mul3A_1 = arith.constant 64 : i32
    %mul3A_2 = arith.muli %add3A, %mul3A_1 : i32
    "tpu.region"() ({
      %run_scoped3A = tpu.sem_alloc : memref<!tpu.dma_semaphore, #tpu.memory_space<semaphore_mem>>
      %dma_start3A_7 = tpu.memref_slice %arg3[%mul3A_2] : memref<2048xi32, #tpu.memory_space<hbm>> -> memref<64xi32, #tpu.memory_space<hbm>>
      %dma_start3A_8 = tpu.memref_slice %arg3[%mul3A_2] : memref<2048xi32, #tpu.memory_space<hbm>> -> memref<64xi32, #tpu.memory_space<hbm>>
      tpu.enqueue_dma source(%dma_start3A_8 : memref<64xi32, #tpu.memory_space<hbm>>) target(%arg5 : memref<64xi32, #tpu.memory_space<vmem>>) target_semaphore(%run_scoped3A : memref<!tpu.dma_semaphore, #tpu.memory_space<semaphore_mem>>)
      %dma_wait3A_9 = tpu.memref_slice %arg3[%mul3A_2] : memref<2048xi32, #tpu.memory_space<hbm>> -> memref<64xi32, #tpu.memory_space<hbm>>
      %dma_wait3A_10 = tpu.memref_slice %arg3[%mul3A_2] : memref<2048xi32, #tpu.memory_space<hbm>> -> memref<64xi32, #tpu.memory_space<hbm>>
      tpu.wait_dma2 semaphore(%run_scoped3A : memref<!tpu.dma_semaphore, #tpu.memory_space<semaphore_mem>>) src(%dma_wait3A_10 : memref<64xi32, #tpu.memory_space<hbm>>) dst(%arg5 : memref<64xi32, #tpu.memory_space<vmem>>)
      tpu.yield
    }) : () -> ()
    %dma_start3A = arith.constant 0 : i32
    %dma_start3A_3 = arith.constant 0 : i32
    %dma_start3A_4 = tpu.memref_slice %arg2[%dma_start3A, %dma_start3A_3] : memref<1024x256xf32, #tpu.memory_space<hbm>> -> memref<1024x256xf32, #tpu.memory_space<hbm>>
    tpu.enqueue_indirect_dma source(%dma_start3A_4 : memref<1024x256xf32, #tpu.memory_space<hbm>>) target(%arg6 : memref<64x256xf32, #tpu.memory_space<vmem>>) offsets(%arg5 : memref<64xi32, #tpu.memory_space<vmem>>) semaphore(%arg7 : memref<!tpu.dma_semaphore, #tpu.memory_space<semaphore_mem>>)
    %dma_wait3A = arith.constant 0 : i32
    %dma_wait3A_5 = arith.constant 0 : i32
    %dma_wait3A_6 = tpu.memref_slice %arg2[%dma_wait3A, %dma_wait3A_5] : memref<1024x256xf32, #tpu.memory_space<hbm>> -> memref<1024x256xf32, #tpu.memory_space<hbm>>
    tpu.wait_indirect_dma semaphore(%arg7 : memref<!tpu.dma_semaphore, #tpu.memory_space<semaphore_mem>>) src(%dma_wait3A_6 : memref<1024x256xf32, #tpu.memory_space<hbm>>) dst(%arg6 : memref<64x256xf32, #tpu.memory_space<vmem>>)
    "tpu.region"() ({
      %run_scoped3A = tpu.sem_alloc : memref<!tpu.dma_semaphore, #tpu.memory_space<semaphore_mem>>
      %dma_start3A_7 = arith.constant 0 : i32
      %dma_start3A_8 = tpu.memref_slice %arg4[%mul3A_2, %dma_start3A_7] : memref<2048x256xf32, #tpu.memory_space<hbm>> -> memref<64x256xf32, #tpu.memory_space<hbm>>
      %dma_start3A_9 = arith.constant 0 : i32
      %dma_start3A_10 = tpu.memref_slice %arg4[%mul3A_2, %dma_start3A_9] : memref<2048x256xf32, #tpu.memory_space<hbm>> -> memref<64x256xf32, #tpu.memory_space<hbm>>
      tpu.enqueue_dma source(%arg6 : memref<64x256xf32, #tpu.memory_space<vmem>>) target(%dma_start3A_10 : memref<64x256xf32, #tpu.memory_space<hbm>>) target_semaphore(%run_scoped3A : memref<!tpu.dma_semaphore, #tpu.memory_space<semaphore_mem>>)
      %dma_wait3A_11 = arith.constant 0 : i32
      %dma_wait3A_12 = tpu.memref_slice %arg4[%mul3A_2, %dma_wait3A_11] : memref<2048x256xf32, #tpu.memory_space<hbm>> -> memref<64x256xf32, #tpu.memory_space<hbm>>
      %dma_wait3A_13 = arith.constant 0 : i32
      %dma_wait3A_14 = tpu.memref_slice %arg4[%mul3A_2, %dma_wait3A_13] : memref<2048x256xf32, #tpu.memory_space<hbm>> -> memref<64x256xf32, #tpu.memory_space<hbm>>
      tpu.wait_dma2 semaphore(%run_scoped3A : memref<!tpu.dma_semaphore, #tpu.memory_space<semaphore_mem>>) src(%arg6 : memref<64x256xf32, #tpu.memory_space<vmem>>) dst(%dma_wait3A_14 : memref<64x256xf32, #tpu.memory_space<hbm>>)
      tpu.yield
    }) : () -> ()
    return
  }
}

module attributes {stable_mosaic.version = 14 : i64} {
  func.func @_vq_idx_kernel(%arg0: i32, %arg1: memref<2048x256xf32, #tpu.memory_space<vmem>>, %arg2: memref<1024x256xf32, #tpu.memory_space<vmem>>, %arg3: memref<2048x1xi32, #tpu.memory_space<vmem>>) attributes {dimension_semantics = [#tpu.dimension_semantics<arbitrary>], iteration_bounds = array<i64: 1>, scalar_prefetch = 0 : i64, scratch_operands = 0 : i64, tpu.core_type = #tpu.core_type<tc>, window_params = [{pipeline_mode = #tpu.pipeline_mode<synchronous>, transform_indices = @transform_0, window_bounds = array<i64: 2048, 256>}, {pipeline_mode = #tpu.pipeline_mode<synchronous>, transform_indices = @transform_1, window_bounds = array<i64: 1024, 256>}, {pipeline_mode = #tpu.pipeline_mode<synchronous>, transform_indices = @transform_2, window_bounds = array<i64: 2048, 1>}]} {
    %get3A = arith.constant 0 : index
    %get3A_0 = arith.constant 0 : index
    %get3A_1 = vector.load %arg2[%get3A, %get3A_0] : memref<1024x256xf32, #tpu.memory_space<vmem>>, vector<1024x256xf32>
    %broadcast_in_dim3A = arith.constant 1.000000e+00 : f32
    %broadcast_in_dim3A_2 = vector.broadcast %broadcast_in_dim3A : f32 to vector<1x256xf32>
    %mul3A = arith.mulf %get3A_1, %get3A_1 : vector<1024x256xf32>
    %dot_general3A = arith.constant dense<0.000000e+00> : vector<1x1024xf32>
    %dot_general3A_3 = tpu.matmul %broadcast_in_dim3A_2, %mul3A, %dot_general3A {dimension_numbers = #tpu.dot_dimension_numbers<[1], [1], [0], [0], [0, 0, 1, 0], [], []>, precision = #tpu.contract_precision<fp32>, transpose_lhs_hint = false} : vector<1x256xf32>, vector<1024x256xf32>, vector<1x1024xf32> -> vector<1x1024xf32>
    %convert_element_type3A = arith.truncf %get3A_1 : vector<1024x256xf32> to vector<1024x256xbf16>
    %iota3A = tpu.iota {dimensions = array<i32: 1>} : vector<512x128xi32>
    %convert_element_type3A_4 = arith.sitofp %iota3A : vector<512x128xi32> to vector<512x128xf32>
    %get3A_5 = arith.constant 0 : index
    %get3A_6 = arith.constant 0 : index
    %get3A_7 = vector.load %arg1[%get3A_5, %get3A_6] : memref<2048x256xf32, #tpu.memory_space<vmem>>, vector<512x256xf32>
    %convert_element_type3A_8 = arith.truncf %get3A_7 : vector<512x256xf32> to vector<512x256xbf16>
    %dot_general3A_9 = arith.constant dense<0.000000e+00> : vector<512x1024xf32>
    %dot_general3A_10 = tpu.matmul %convert_element_type3A_8, %convert_element_type3A, %dot_general3A_9 {dimension_numbers = #tpu.dot_dimension_numbers<[1], [1], [0], [0], [0, 0, 1, 0], [], []>, transpose_lhs_hint = false} : vector<512x256xbf16>, vector<1024x256xbf16>, vector<512x1024xf32> -> vector<512x1024xf32>
    %mul3A_11 = arith.mulf %get3A_7, %get3A_7 : vector<512x256xf32>
    %reduce_sum3A = arith.constant dense<0.000000e+00> : vector<512xf32>
    %reduce_sum3A_12 = vector.multi_reduction <add>, %mul3A_11, %reduce_sum3A [1] : vector<512x256xf32> to vector<512xf32>
    %broadcast_in_dim3A_13 = vector.shape_cast %reduce_sum3A_12 : vector<512xf32> to vector<512x1xf32>
    %slice3A = vector.extract_strided_slice %dot_general3A_3 {offsets = [0, 0], sizes = [1, 128], strides = [1, 1]} : vector<1x1024xf32> to vector<1x128xf32>
    %add3A = vector.broadcast %slice3A : vector<1x128xf32> to vector<512x128xf32>
    %add3A_14 = vector.broadcast %broadcast_in_dim3A_13 : vector<512x1xf32> to vector<512x128xf32>
    %add3A_15 = arith.addf %add3A, %add3A_14 : vector<512x128xf32>
    %slice3A_16 = vector.extract_strided_slice %dot_general3A_10 {offsets = [0, 0], sizes = [512, 128], strides = [1, 1]} : vector<512x1024xf32> to vector<512x128xf32>
    %mul3A_17 = arith.constant 2.000000e+00 : f32
    %mul3A_18 = vector.broadcast %mul3A_17 : f32 to vector<512x128xf32>
    %mul3A_19 = arith.mulf %mul3A_18, %slice3A_16 : vector<512x128xf32>
    %sub3A = arith.subf %add3A_15, %mul3A_19 : vector<512x128xf32>
    %slice3A_20 = vector.extract_strided_slice %dot_general3A_3 {offsets = [0, 128], sizes = [1, 128], strides = [1, 1]} : vector<1x1024xf32> to vector<1x128xf32>
    %add3A_21 = vector.broadcast %slice3A_20 : vector<1x128xf32> to vector<512x128xf32>
    %add3A_22 = vector.broadcast %broadcast_in_dim3A_13 : vector<512x1xf32> to vector<512x128xf32>
    %add3A_23 = arith.addf %add3A_21, %add3A_22 : vector<512x128xf32>
    %slice3A_24 = vector.extract_strided_slice %dot_general3A_10 {offsets = [0, 128], sizes = [512, 128], strides = [1, 1]} : vector<512x1024xf32> to vector<512x128xf32>
    %mul3A_25 = arith.constant 2.000000e+00 : f32
    %mul3A_26 = vector.broadcast %mul3A_25 : f32 to vector<512x128xf32>
    %mul3A_27 = arith.mulf %mul3A_26, %slice3A_24 : vector<512x128xf32>
    %sub3A_28 = arith.subf %add3A_23, %mul3A_27 : vector<512x128xf32>
    %lt3A = arith.cmpf olt, %sub3A_28, %sub3A : vector<512x128xf32>
    %add3A_29 = arith.constant 1.280000e+02 : f32
    %add3A_30 = vector.broadcast %add3A_29 : f32 to vector<512x128xf32>
    %add3A_31 = arith.addf %convert_element_type3A_4, %add3A_30 : vector<512x128xf32>
    %select_n3A = arith.select %lt3A, %add3A_31, %convert_element_type3A_4 : vector<512x128xi1>, vector<512x128xf32>
    %min3A = arith.minimumf %sub3A, %sub3A_28 : vector<512x128xf32>
    %slice3A_32 = vector.extract_strided_slice %dot_general3A_3 {offsets = [0, 256], sizes = [1, 128], strides = [1, 1]} : vector<1x1024xf32> to vector<1x128xf32>
    %add3A_33 = vector.broadcast %slice3A_32 : vector<1x128xf32> to vector<512x128xf32>
    %add3A_34 = vector.broadcast %broadcast_in_dim3A_13 : vector<512x1xf32> to vector<512x128xf32>
    %add3A_35 = arith.addf %add3A_33, %add3A_34 : vector<512x128xf32>
    %slice3A_36 = vector.extract_strided_slice %dot_general3A_10 {offsets = [0, 256], sizes = [512, 128], strides = [1, 1]} : vector<512x1024xf32> to vector<512x128xf32>
    %mul3A_37 = arith.constant 2.000000e+00 : f32
    %mul3A_38 = vector.broadcast %mul3A_37 : f32 to vector<512x128xf32>
    %mul3A_39 = arith.mulf %mul3A_38, %slice3A_36 : vector<512x128xf32>
    %sub3A_40 = arith.subf %add3A_35, %mul3A_39 : vector<512x128xf32>
    %lt3A_41 = arith.cmpf olt, %sub3A_40, %min3A : vector<512x128xf32>
    %add3A_42 = arith.constant 2.560000e+02 : f32
    %add3A_43 = vector.broadcast %add3A_42 : f32 to vector<512x128xf32>
    %add3A_44 = arith.addf %convert_element_type3A_4, %add3A_43 : vector<512x128xf32>
    %select_n3A_45 = arith.select %lt3A_41, %add3A_44, %select_n3A : vector<512x128xi1>, vector<512x128xf32>
    %min3A_46 = arith.minimumf %min3A, %sub3A_40 : vector<512x128xf32>
    %slice3A_47 = vector.extract_strided_slice %dot_general3A_3 {offsets = [0, 384], sizes = [1, 128], strides = [1, 1]} : vector<1x1024xf32> to vector<1x128xf32>
    %add3A_48 = vector.broadcast %slice3A_47 : vector<1x128xf32> to vector<512x128xf32>
    %add3A_49 = vector.broadcast %broadcast_in_dim3A_13 : vector<512x1xf32> to vector<512x128xf32>
    %add3A_50 = arith.addf %add3A_48, %add3A_49 : vector<512x128xf32>
    %slice3A_51 = vector.extract_strided_slice %dot_general3A_10 {offsets = [0, 384], sizes = [512, 128], strides = [1, 1]} : vector<512x1024xf32> to vector<512x128xf32>
    %mul3A_52 = arith.constant 2.000000e+00 : f32
    %mul3A_53 = vector.broadcast %mul3A_52 : f32 to vector<512x128xf32>
    %mul3A_54 = arith.mulf %mul3A_53, %slice3A_51 : vector<512x128xf32>
    %sub3A_55 = arith.subf %add3A_50, %mul3A_54 : vector<512x128xf32>
    %lt3A_56 = arith.cmpf olt, %sub3A_55, %min3A_46 : vector<512x128xf32>
    %add3A_57 = arith.constant 3.840000e+02 : f32
    %add3A_58 = vector.broadcast %add3A_57 : f32 to vector<512x128xf32>
    %add3A_59 = arith.addf %convert_element_type3A_4, %add3A_58 : vector<512x128xf32>
    %select_n3A_60 = arith.select %lt3A_56, %add3A_59, %select_n3A_45 : vector<512x128xi1>, vector<512x128xf32>
    %min3A_61 = arith.minimumf %min3A_46, %sub3A_55 : vector<512x128xf32>
    %slice3A_62 = vector.extract_strided_slice %dot_general3A_3 {offsets = [0, 512], sizes = [1, 128], strides = [1, 1]} : vector<1x1024xf32> to vector<1x128xf32>
    %add3A_63 = vector.broadcast %slice3A_62 : vector<1x128xf32> to vector<512x128xf32>
    %add3A_64 = vector.broadcast %broadcast_in_dim3A_13 : vector<512x1xf32> to vector<512x128xf32>
    %add3A_65 = arith.addf %add3A_63, %add3A_64 : vector<512x128xf32>
    %slice3A_66 = vector.extract_strided_slice %dot_general3A_10 {offsets = [0, 512], sizes = [512, 128], strides = [1, 1]} : vector<512x1024xf32> to vector<512x128xf32>
    %mul3A_67 = arith.constant 2.000000e+00 : f32
    %mul3A_68 = vector.broadcast %mul3A_67 : f32 to vector<512x128xf32>
    %mul3A_69 = arith.mulf %mul3A_68, %slice3A_66 : vector<512x128xf32>
    %sub3A_70 = arith.subf %add3A_65, %mul3A_69 : vector<512x128xf32>
    %lt3A_71 = arith.cmpf olt, %sub3A_70, %min3A_61 : vector<512x128xf32>
    %add3A_72 = arith.constant 5.120000e+02 : f32
    %add3A_73 = vector.broadcast %add3A_72 : f32 to vector<512x128xf32>
    %add3A_74 = arith.addf %convert_element_type3A_4, %add3A_73 : vector<512x128xf32>
    %select_n3A_75 = arith.select %lt3A_71, %add3A_74, %select_n3A_60 : vector<512x128xi1>, vector<512x128xf32>
    %min3A_76 = arith.minimumf %min3A_61, %sub3A_70 : vector<512x128xf32>
    %slice3A_77 = vector.extract_strided_slice %dot_general3A_3 {offsets = [0, 640], sizes = [1, 128], strides = [1, 1]} : vector<1x1024xf32> to vector<1x128xf32>
    %add3A_78 = vector.broadcast %slice3A_77 : vector<1x128xf32> to vector<512x128xf32>
    %add3A_79 = vector.broadcast %broadcast_in_dim3A_13 : vector<512x1xf32> to vector<512x128xf32>
    %add3A_80 = arith.addf %add3A_78, %add3A_79 : vector<512x128xf32>
    %slice3A_81 = vector.extract_strided_slice %dot_general3A_10 {offsets = [0, 640], sizes = [512, 128], strides = [1, 1]} : vector<512x1024xf32> to vector<512x128xf32>
    %mul3A_82 = arith.constant 2.000000e+00 : f32
    %mul3A_83 = vector.broadcast %mul3A_82 : f32 to vector<512x128xf32>
    %mul3A_84 = arith.mulf %mul3A_83, %slice3A_81 : vector<512x128xf32>
    %sub3A_85 = arith.subf %add3A_80, %mul3A_84 : vector<512x128xf32>
    %lt3A_86 = arith.cmpf olt, %sub3A_85, %min3A_76 : vector<512x128xf32>
    %add3A_87 = arith.constant 6.400000e+02 : f32
    %add3A_88 = vector.broadcast %add3A_87 : f32 to vector<512x128xf32>
    %add3A_89 = arith.addf %convert_element_type3A_4, %add3A_88 : vector<512x128xf32>
    %select_n3A_90 = arith.select %lt3A_86, %add3A_89, %select_n3A_75 : vector<512x128xi1>, vector<512x128xf32>
    %min3A_91 = arith.minimumf %min3A_76, %sub3A_85 : vector<512x128xf32>
    %slice3A_92 = vector.extract_strided_slice %dot_general3A_3 {offsets = [0, 768], sizes = [1, 128], strides = [1, 1]} : vector<1x1024xf32> to vector<1x128xf32>
    %add3A_93 = vector.broadcast %slice3A_92 : vector<1x128xf32> to vector<512x128xf32>
    %add3A_94 = vector.broadcast %broadcast_in_dim3A_13 : vector<512x1xf32> to vector<512x128xf32>
    %add3A_95 = arith.addf %add3A_93, %add3A_94 : vector<512x128xf32>
    %slice3A_96 = vector.extract_strided_slice %dot_general3A_10 {offsets = [0, 768], sizes = [512, 128], strides = [1, 1]} : vector<512x1024xf32> to vector<512x128xf32>
    %mul3A_97 = arith.constant 2.000000e+00 : f32
    %mul3A_98 = vector.broadcast %mul3A_97 : f32 to vector<512x128xf32>
    %mul3A_99 = arith.mulf %mul3A_98, %slice3A_96 : vector<512x128xf32>
    %sub3A_100 = arith.subf %add3A_95, %mul3A_99 : vector<512x128xf32>
    %lt3A_101 = arith.cmpf olt, %sub3A_100, %min3A_91 : vector<512x128xf32>
    %add3A_102 = arith.constant 7.680000e+02 : f32
    %add3A_103 = vector.broadcast %add3A_102 : f32 to vector<512x128xf32>
    %add3A_104 = arith.addf %convert_element_type3A_4, %add3A_103 : vector<512x128xf32>
    %select_n3A_105 = arith.select %lt3A_101, %add3A_104, %select_n3A_90 : vector<512x128xi1>, vector<512x128xf32>
    %min3A_106 = arith.minimumf %min3A_91, %sub3A_100 : vector<512x128xf32>
    %slice3A_107 = vector.extract_strided_slice %dot_general3A_3 {offsets = [0, 896], sizes = [1, 128], strides = [1, 1]} : vector<1x1024xf32> to vector<1x128xf32>
    %add3A_108 = vector.broadcast %slice3A_107 : vector<1x128xf32> to vector<512x128xf32>
    %add3A_109 = vector.broadcast %broadcast_in_dim3A_13 : vector<512x1xf32> to vector<512x128xf32>
    %add3A_110 = arith.addf %add3A_108, %add3A_109 : vector<512x128xf32>
    %slice3A_111 = vector.extract_strided_slice %dot_general3A_10 {offsets = [0, 896], sizes = [512, 128], strides = [1, 1]} : vector<512x1024xf32> to vector<512x128xf32>
    %mul3A_112 = arith.constant 2.000000e+00 : f32
    %mul3A_113 = vector.broadcast %mul3A_112 : f32 to vector<512x128xf32>
    %mul3A_114 = arith.mulf %mul3A_113, %slice3A_111 : vector<512x128xf32>
    %sub3A_115 = arith.subf %add3A_110, %mul3A_114 : vector<512x128xf32>
    %lt3A_116 = arith.cmpf olt, %sub3A_115, %min3A_106 : vector<512x128xf32>
    %add3A_117 = arith.constant 8.960000e+02 : f32
    %add3A_118 = vector.broadcast %add3A_117 : f32 to vector<512x128xf32>
    %add3A_119 = arith.addf %convert_element_type3A_4, %add3A_118 : vector<512x128xf32>
    %select_n3A_120 = arith.select %lt3A_116, %add3A_119, %select_n3A_105 : vector<512x128xi1>, vector<512x128xf32>
    %min3A_121 = arith.minimumf %min3A_106, %sub3A_115 : vector<512x128xf32>
    %reduce_min3A = arith.constant dense<0x7F800000> : vector<512xf32>
    %reduce_min3A_122 = vector.multi_reduction <minimumf>, %min3A_121, %reduce_min3A [1] : vector<512x128xf32> to vector<512xf32>
    %broadcast_in_dim3A_123 = vector.shape_cast %reduce_min3A_122 : vector<512xf32> to vector<512x1xf32>
    %eq3A = vector.broadcast %broadcast_in_dim3A_123 : vector<512x1xf32> to vector<512x128xf32>
    %eq3A_124 = arith.cmpf oeq, %min3A_121, %eq3A : vector<512x128xf32>
    %jit3A = arith.constant 1.024000e+03 : f32
    %broadcast_in_dim3A_125 = vector.broadcast %jit3A : f32 to vector<512x128xf32>
    %select_n3A_126 = arith.select %eq3A_124, %select_n3A_120, %broadcast_in_dim3A_125 : vector<512x128xi1>, vector<512x128xf32>
    %reduce_min3A_127 = arith.constant dense<0x7F800000> : vector<512xf32>
    %reduce_min3A_128 = vector.multi_reduction <minimumf>, %select_n3A_126, %reduce_min3A_127 [1] : vector<512x128xf32> to vector<512xf32>
    %broadcast_in_dim3A_129 = vector.shape_cast %reduce_min3A_128 : vector<512xf32> to vector<512x1xf32>
    %convert_element_type3A_130 = arith.fptosi %broadcast_in_dim3A_129 : vector<512x1xf32> to vector<512x1xi32>
    %swap3A = arith.constant 0 : index
    %swap3A_131 = arith.constant 0 : index
    %swap3A_132 = vector.load %arg3[%swap3A, %swap3A_131] : memref<2048x1xi32, #tpu.memory_space<vmem>>, vector<512x1xi32>
    tpu.vector_store %arg3[%swap3A, %swap3A_131], %convert_element_type3A_130 {strides = array<i32>} : memref<2048x1xi32, #tpu.memory_space<vmem>>, vector<512x1xi32>,
    %get3A_133 = arith.constant 512 : index
    %get3A_134 = arith.constant 0 : index
    %get3A_135 = vector.load %arg1[%get3A_133, %get3A_134] : memref<2048x256xf32, #tpu.memory_space<vmem>>, vector<512x256xf32>
    %convert_element_type3A_136 = arith.truncf %get3A_135 : vector<512x256xf32> to vector<512x256xbf16>
    %dot_general3A_137 = arith.constant dense<0.000000e+00> : vector<512x1024xf32>
    %dot_general3A_138 = tpu.matmul %convert_element_type3A_136, %convert_element_type3A, %dot_general3A_137 {dimension_numbers = #tpu.dot_dimension_numbers<[1], [1], [0], [0], [0, 0, 1, 0], [], []>, transpose_lhs_hint = false} : vector<512x256xbf16>, vector<1024x256xbf16>, vector<512x1024xf32> -> vector<512x1024xf32>
    %mul3A_139 = arith.mulf %get3A_135, %get3A_135 : vector<512x256xf32>
    %reduce_sum3A_140 = arith.constant dense<0.000000e+00> : vector<512xf32>
    %reduce_sum3A_141 = vector.multi_reduction <add>, %mul3A_139, %reduce_sum3A_140 [1] : vector<512x256xf32> to vector<512xf32>
    %broadcast_in_dim3A_142 = vector.shape_cast %reduce_sum3A_141 : vector<512xf32> to vector<512x1xf32>
    %slice3A_143 = vector.extract_strided_slice %dot_general3A_3 {offsets = [0, 0], sizes = [1, 128], strides = [1, 1]} : vector<1x1024xf32> to vector<1x128xf32>
    %add3A_144 = vector.broadcast %slice3A_143 : vector<1x128xf32> to vector<512x128xf32>
    %add3A_145 = vector.broadcast %broadcast_in_dim3A_142 : vector<512x1xf32> to vector<512x128xf32>
    %add3A_146 = arith.addf %add3A_144, %add3A_145 : vector<512x128xf32>
    %slice3A_147 = vector.extract_strided_slice %dot_general3A_138 {offsets = [0, 0], sizes = [512, 128], strides = [1, 1]} : vector<512x1024xf32> to vector<512x128xf32>
    %mul3A_148 = arith.constant 2.000000e+00 : f32
    %mul3A_149 = vector.broadcast %mul3A_148 : f32 to vector<512x128xf32>
    %mul3A_150 = arith.mulf %mul3A_149, %slice3A_147 : vector<512x128xf32>
    %sub3A_151 = arith.subf %add3A_146, %mul3A_150 : vector<512x128xf32>
    %slice3A_152 = vector.extract_strided_slice %dot_general3A_3 {offsets = [0, 128], sizes = [1, 128], strides = [1, 1]} : vector<1x1024xf32> to vector<1x128xf32>
    %add3A_153 = vector.broadcast %slice3A_152 : vector<1x128xf32> to vector<512x128xf32>
    %add3A_154 = vector.broadcast %broadcast_in_dim3A_142 : vector<512x1xf32> to vector<512x128xf32>
    %add3A_155 = arith.addf %add3A_153, %add3A_154 : vector<512x128xf32>
    %slice3A_156 = vector.extract_strided_slice %dot_general3A_138 {offsets = [0, 128], sizes = [512, 128], strides = [1, 1]} : vector<512x1024xf32> to vector<512x128xf32>
    %mul3A_157 = arith.constant 2.000000e+00 : f32
    %mul3A_158 = vector.broadcast %mul3A_157 : f32 to vector<512x128xf32>
    %mul3A_159 = arith.mulf %mul3A_158, %slice3A_156 : vector<512x128xf32>
    %sub3A_160 = arith.subf %add3A_155, %mul3A_159 : vector<512x128xf32>
    %lt3A_161 = arith.cmpf olt, %sub3A_160, %sub3A_151 : vector<512x128xf32>
    %add3A_162 = arith.constant 1.280000e+02 : f32
    %add3A_163 = vector.broadcast %add3A_162 : f32 to vector<512x128xf32>
    %add3A_164 = arith.addf %convert_element_type3A_4, %add3A_163 : vector<512x128xf32>
    %select_n3A_165 = arith.select %lt3A_161, %add3A_164, %convert_element_type3A_4 : vector<512x128xi1>, vector<512x128xf32>
    %min3A_166 = arith.minimumf %sub3A_151, %sub3A_160 : vector<512x128xf32>
    %slice3A_167 = vector.extract_strided_slice %dot_general3A_3 {offsets = [0, 256], sizes = [1, 128], strides = [1, 1]} : vector<1x1024xf32> to vector<1x128xf32>
    %add3A_168 = vector.broadcast %slice3A_167 : vector<1x128xf32> to vector<512x128xf32>
    %add3A_169 = vector.broadcast %broadcast_in_dim3A_142 : vector<512x1xf32> to vector<512x128xf32>
    %add3A_170 = arith.addf %add3A_168, %add3A_169 : vector<512x128xf32>
    %slice3A_171 = vector.extract_strided_slice %dot_general3A_138 {offsets = [0, 256], sizes = [512, 128], strides = [1, 1]} : vector<512x1024xf32> to vector<512x128xf32>
    %mul3A_172 = arith.constant 2.000000e+00 : f32
    %mul3A_173 = vector.broadcast %mul3A_172 : f32 to vector<512x128xf32>
    %mul3A_174 = arith.mulf %mul3A_173, %slice3A_171 : vector<512x128xf32>
    %sub3A_175 = arith.subf %add3A_170, %mul3A_174 : vector<512x128xf32>
    %lt3A_176 = arith.cmpf olt, %sub3A_175, %min3A_166 : vector<512x128xf32>
    %add3A_177 = arith.constant 2.560000e+02 : f32
    %add3A_178 = vector.broadcast %add3A_177 : f32 to vector<512x128xf32>
    %add3A_179 = arith.addf %convert_element_type3A_4, %add3A_178 : vector<512x128xf32>
    %select_n3A_180 = arith.select %lt3A_176, %add3A_179, %select_n3A_165 : vector<512x128xi1>, vector<512x128xf32>
    %min3A_181 = arith.minimumf %min3A_166, %sub3A_175 : vector<512x128xf32>
    %slice3A_182 = vector.extract_strided_slice %dot_general3A_3 {offsets = [0, 384], sizes = [1, 128], strides = [1, 1]} : vector<1x1024xf32> to vector<1x128xf32>
    %add3A_183 = vector.broadcast %slice3A_182 : vector<1x128xf32> to vector<512x128xf32>
    %add3A_184 = vector.broadcast %broadcast_in_dim3A_142 : vector<512x1xf32> to vector<512x128xf32>
    %add3A_185 = arith.addf %add3A_183, %add3A_184 : vector<512x128xf32>
    %slice3A_186 = vector.extract_strided_slice %dot_general3A_138 {offsets = [0, 384], sizes = [512, 128], strides = [1, 1]} : vector<512x1024xf32> to vector<512x128xf32>
    %mul3A_187 = arith.constant 2.000000e+00 : f32
    %mul3A_188 = vector.broadcast %mul3A_187 : f32 to vector<512x128xf32>
    %mul3A_189 = arith.mulf %mul3A_188, %slice3A_186 : vector<512x128xf32>
    %sub3A_190 = arith.subf %add3A_185, %mul3A_189 : vector<512x128xf32>
    %lt3A_191 = arith.cmpf olt, %sub3A_190, %min3A_181 : vector<512x128xf32>
    %add3A_192 = arith.constant 3.840000e+02 : f32
    %add3A_193 = vector.broadcast %add3A_192 : f32 to vector<512x128xf32>
    %add3A_194 = arith.addf %convert_element_type3A_4, %add3A_193 : vector<512x128xf32>
    %select_n3A_195 = arith.select %lt3A_191, %add3A_194, %select_n3A_180 : vector<512x128xi1>, vector<512x128xf32>
    %min3A_196 = arith.minimumf %min3A_181, %sub3A_190 : vector<512x128xf32>
    %slice3A_197 = vector.extract_strided_slice %dot_general3A_3 {offsets = [0, 512], sizes = [1, 128], strides = [1, 1]} : vector<1x1024xf32> to vector<1x128xf32>
    %add3A_198 = vector.broadcast %slice3A_197 : vector<1x128xf32> to vector<512x128xf32>
    %add3A_199 = vector.broadcast %broadcast_in_dim3A_142 : vector<512x1xf32> to vector<512x128xf32>
    %add3A_200 = arith.addf %add3A_198, %add3A_199 : vector<512x128xf32>
    %slice3A_201 = vector.extract_strided_slice %dot_general3A_138 {offsets = [0, 512], sizes = [512, 128], strides = [1, 1]} : vector<512x1024xf32> to vector<512x128xf32>
    %mul3A_202 = arith.constant 2.000000e+00 : f32
    %mul3A_203 = vector.broadcast %mul3A_202 : f32 to vector<512x128xf32>
    %mul3A_204 = arith.mulf %mul3A_203, %slice3A_201 : vector<512x128xf32>
    %sub3A_205 = arith.subf %add3A_200, %mul3A_204 : vector<512x128xf32>
    %lt3A_206 = arith.cmpf olt, %sub3A_205, %min3A_196 : vector<512x128xf32>
    %add3A_207 = arith.constant 5.120000e+02 : f32
    %add3A_208 = vector.broadcast %add3A_207 : f32 to vector<512x128xf32>
    %add3A_209 = arith.addf %convert_element_type3A_4, %add3A_208 : vector<512x128xf32>
    %select_n3A_210 = arith.select %lt3A_206, %add3A_209, %select_n3A_195 : vector<512x128xi1>, vector<512x128xf32>
    %min3A_211 = arith.minimumf %min3A_196, %sub3A_205 : vector<512x128xf32>
    %slice3A_212 = vector.extract_strided_slice %dot_general3A_3 {offsets = [0, 640], sizes = [1, 128], strides = [1, 1]} : vector<1x1024xf32> to vector<1x128xf32>
    %add3A_213 = vector.broadcast %slice3A_212 : vector<1x128xf32> to vector<512x128xf32>
    %add3A_214 = vector.broadcast %broadcast_in_dim3A_142 : vector<512x1xf32> to vector<512x128xf32>
    %add3A_215 = arith.addf %add3A_213, %add3A_214 : vector<512x128xf32>
    %slice3A_216 = vector.extract_strided_slice %dot_general3A_138 {offsets = [0, 640], sizes = [512, 128], strides = [1, 1]} : vector<512x1024xf32> to vector<512x128xf32>
    %mul3A_217 = arith.constant 2.000000e+00 : f32
    %mul3A_218 = vector.broadcast %mul3A_217 : f32 to vector<512x128xf32>
    %mul3A_219 = arith.mulf %mul3A_218, %slice3A_216 : vector<512x128xf32>
    %sub3A_220 = arith.subf %add3A_215, %mul3A_219 : vector<512x128xf32>
    %lt3A_221 = arith.cmpf olt, %sub3A_220, %min3A_211 : vector<512x128xf32>
    %add3A_222 = arith.constant 6.400000e+02 : f32
    %add3A_223 = vector.broadcast %add3A_222 : f32 to vector<512x128xf32>
    %add3A_224 = arith.addf %convert_element_type3A_4, %add3A_223 : vector<512x128xf32>
    %select_n3A_225 = arith.select %lt3A_221, %add3A_224, %select_n3A_210 : vector<512x128xi1>, vector<512x128xf32>
    %min3A_226 = arith.minimumf %min3A_211, %sub3A_220 : vector<512x128xf32>
    %slice3A_227 = vector.extract_strided_slice %dot_general3A_3 {offsets = [0, 768], sizes = [1, 128], strides = [1, 1]} : vector<1x1024xf32> to vector<1x128xf32>
    %add3A_228 = vector.broadcast %slice3A_227 : vector<1x128xf32> to vector<512x128xf32>
    %add3A_229 = vector.broadcast %broadcast_in_dim3A_142 : vector<512x1xf32> to vector<512x128xf32>
    %add3A_230 = arith.addf %add3A_228, %add3A_229 : vector<512x128xf32>
    %slice3A_231 = vector.extract_strided_slice %dot_general3A_138 {offsets = [0, 768], sizes = [512, 128], strides = [1, 1]} : vector<512x1024xf32> to vector<512x128xf32>
    %mul3A_232 = arith.constant 2.000000e+00 : f32
    %mul3A_233 = vector.broadcast %mul3A_232 : f32 to vector<512x128xf32>
    %mul3A_234 = arith.mulf %mul3A_233, %slice3A_231 : vector<512x128xf32>
    %sub3A_235 = arith.subf %add3A_230, %mul3A_234 : vector<512x128xf32>
    %lt3A_236 = arith.cmpf olt, %sub3A_235, %min3A_226 : vector<512x128xf32>
    %add3A_237 = arith.constant 7.680000e+02 : f32
    %add3A_238 = vector.broadcast %add3A_237 : f32 to vector<512x128xf32>
    %add3A_239 = arith.addf %convert_element_type3A_4, %add3A_238 : vector<512x128xf32>
    %select_n3A_240 = arith.select %lt3A_236, %add3A_239, %select_n3A_225 : vector<512x128xi1>, vector<512x128xf32>
    %min3A_241 = arith.minimumf %min3A_226, %sub3A_235 : vector<512x128xf32>
    %slice3A_242 = vector.extract_strided_slice %dot_general3A_3 {offsets = [0, 896], sizes = [1, 128], strides = [1, 1]} : vector<1x1024xf32> to vector<1x128xf32>
    %add3A_243 = vector.broadcast %slice3A_242 : vector<1x128xf32> to vector<512x128xf32>
    %add3A_244 = vector.broadcast %broadcast_in_dim3A_142 : vector<512x1xf32> to vector<512x128xf32>
    %add3A_245 = arith.addf %add3A_243, %add3A_244 : vector<512x128xf32>
    %slice3A_246 = vector.extract_strided_slice %dot_general3A_138 {offsets = [0, 896], sizes = [512, 128], strides = [1, 1]} : vector<512x1024xf32> to vector<512x128xf32>
    %mul3A_247 = arith.constant 2.000000e+00 : f32
    %mul3A_248 = vector.broadcast %mul3A_247 : f32 to vector<512x128xf32>
    %mul3A_249 = arith.mulf %mul3A_248, %slice3A_246 : vector<512x128xf32>
    %sub3A_250 = arith.subf %add3A_245, %mul3A_249 : vector<512x128xf32>
    %lt3A_251 = arith.cmpf olt, %sub3A_250, %min3A_241 : vector<512x128xf32>
    %add3A_252 = arith.constant 8.960000e+02 : f32
    %add3A_253 = vector.broadcast %add3A_252 : f32 to vector<512x128xf32>
    %add3A_254 = arith.addf %convert_element_type3A_4, %add3A_253 : vector<512x128xf32>
    %select_n3A_255 = arith.select %lt3A_251, %add3A_254, %select_n3A_240 : vector<512x128xi1>, vector<512x128xf32>
    %min3A_256 = arith.minimumf %min3A_241, %sub3A_250 : vector<512x128xf32>
    %reduce_min3A_257 = arith.constant dense<0x7F800000> : vector<512xf32>
    %reduce_min3A_258 = vector.multi_reduction <minimumf>, %min3A_256, %reduce_min3A_257 [1] : vector<512x128xf32> to vector<512xf32>
    %broadcast_in_dim3A_259 = vector.shape_cast %reduce_min3A_258 : vector<512xf32> to vector<512x1xf32>
    %eq3A_260 = vector.broadcast %broadcast_in_dim3A_259 : vector<512x1xf32> to vector<512x128xf32>
    %eq3A_261 = arith.cmpf oeq, %min3A_256, %eq3A_260 : vector<512x128xf32>
    %jit3A_262 = arith.constant 1.024000e+03 : f32
    %broadcast_in_dim3A_263 = vector.broadcast %jit3A_262 : f32 to vector<512x128xf32>
    %select_n3A_264 = arith.select %eq3A_261, %select_n3A_255, %broadcast_in_dim3A_263 : vector<512x128xi1>, vector<512x128xf32>
    %reduce_min3A_265 = arith.constant dense<0x7F800000> : vector<512xf32>
    %reduce_min3A_266 = vector.multi_reduction <minimumf>, %select_n3A_264, %reduce_min3A_265 [1] : vector<512x128xf32> to vector<512xf32>
    %broadcast_in_dim3A_267 = vector.shape_cast %reduce_min3A_266 : vector<512xf32> to vector<512x1xf32>
    %convert_element_type3A_268 = arith.fptosi %broadcast_in_dim3A_267 : vector<512x1xf32> to vector<512x1xi32>
    %swap3A_269 = arith.constant 512 : index
    %swap3A_270 = arith.constant 0 : index
    %swap3A_271 = vector.load %arg3[%swap3A_269, %swap3A_270] : memref<2048x1xi32, #tpu.memory_space<vmem>>, vector<512x1xi32>
    tpu.vector_store %arg3[%swap3A_269, %swap3A_270], %convert_element_type3A_268 {strides = array<i32>} : memref<2048x1xi32, #tpu.memory_space<vmem>>, vector<512x1xi32>,
    %get3A_272 = arith.constant 1024 : index
    %get3A_273 = arith.constant 0 : index
    %get3A_274 = vector.load %arg1[%get3A_272, %get3A_273] : memref<2048x256xf32, #tpu.memory_space<vmem>>, vector<512x256xf32>
    %convert_element_type3A_275 = arith.truncf %get3A_274 : vector<512x256xf32> to vector<512x256xbf16>
    %dot_general3A_276 = arith.constant dense<0.000000e+00> : vector<512x1024xf32>
    %dot_general3A_277 = tpu.matmul %convert_element_type3A_275, %convert_element_type3A, %dot_general3A_276 {dimension_numbers = #tpu.dot_dimension_numbers<[1], [1], [0], [0], [0, 0, 1, 0], [], []>, transpose_lhs_hint = false} : vector<512x256xbf16>, vector<1024x256xbf16>, vector<512x1024xf32> -> vector<512x1024xf32>
    %mul3A_278 = arith.mulf %get3A_274, %get3A_274 : vector<512x256xf32>
    %reduce_sum3A_279 = arith.constant dense<0.000000e+00> : vector<512xf32>
    %reduce_sum3A_280 = vector.multi_reduction <add>, %mul3A_278, %reduce_sum3A_279 [1] : vector<512x256xf32> to vector<512xf32>
    %broadcast_in_dim3A_281 = vector.shape_cast %reduce_sum3A_280 : vector<512xf32> to vector<512x1xf32>
    %slice3A_282 = vector.extract_strided_slice %dot_general3A_3 {offsets = [0, 0], sizes = [1, 128], strides = [1, 1]} : vector<1x1024xf32> to vector<1x128xf32>
    %add3A_283 = vector.broadcast %slice3A_282 : vector<1x128xf32> to vector<512x128xf32>
    %add3A_284 = vector.broadcast %broadcast_in_dim3A_281 : vector<512x1xf32> to vector<512x128xf32>
    %add3A_285 = arith.addf %add3A_283, %add3A_284 : vector<512x128xf32>
    %slice3A_286 = vector.extract_strided_slice %dot_general3A_277 {offsets = [0, 0], sizes = [512, 128], strides = [1, 1]} : vector<512x1024xf32> to vector<512x128xf32>
    %mul3A_287 = arith.constant 2.000000e+00 : f32
    %mul3A_288 = vector.broadcast %mul3A_287 : f32 to vector<512x128xf32>
    %mul3A_289 = arith.mulf %mul3A_288, %slice3A_286 : vector<512x128xf32>
    %sub3A_290 = arith.subf %add3A_285, %mul3A_289 : vector<512x128xf32>
    %slice3A_291 = vector.extract_strided_slice %dot_general3A_3 {offsets = [0, 128], sizes = [1, 128], strides = [1, 1]} : vector<1x1024xf32> to vector<1x128xf32>
    %add3A_292 = vector.broadcast %slice3A_291 : vector<1x128xf32> to vector<512x128xf32>
    %add3A_293 = vector.broadcast %broadcast_in_dim3A_281 : vector<512x1xf32> to vector<512x128xf32>
    %add3A_294 = arith.addf %add3A_292, %add3A_293 : vector<512x128xf32>
    %slice3A_295 = vector.extract_strided_slice %dot_general3A_277 {offsets = [0, 128], sizes = [512, 128], strides = [1, 1]} : vector<512x1024xf32> to vector<512x128xf32>
    %mul3A_296 = arith.constant 2.000000e+00 : f32
    %mul3A_297 = vector.broadcast %mul3A_296 : f32 to vector<512x128xf32>
    %mul3A_298 = arith.mulf %mul3A_297, %slice3A_295 : vector<512x128xf32>
    %sub3A_299 = arith.subf %add3A_294, %mul3A_298 : vector<512x128xf32>
    %lt3A_300 = arith.cmpf olt, %sub3A_299, %sub3A_290 : vector<512x128xf32>
    %add3A_301 = arith.constant 1.280000e+02 : f32
    %add3A_302 = vector.broadcast %add3A_301 : f32 to vector<512x128xf32>
    %add3A_303 = arith.addf %convert_element_type3A_4, %add3A_302 : vector<512x128xf32>
    %select_n3A_304 = arith.select %lt3A_300, %add3A_303, %convert_element_type3A_4 : vector<512x128xi1>, vector<512x128xf32>
    %min3A_305 = arith.minimumf %sub3A_290, %sub3A_299 : vector<512x128xf32>
    %slice3A_306 = vector.extract_strided_slice %dot_general3A_3 {offsets = [0, 256], sizes = [1, 128], strides = [1, 1]} : vector<1x1024xf32> to vector<1x128xf32>
    %add3A_307 = vector.broadcast %slice3A_306 : vector<1x128xf32> to vector<512x128xf32>
    %add3A_308 = vector.broadcast %broadcast_in_dim3A_281 : vector<512x1xf32> to vector<512x128xf32>
    %add3A_309 = arith.addf %add3A_307, %add3A_308 : vector<512x128xf32>
    %slice3A_310 = vector.extract_strided_slice %dot_general3A_277 {offsets = [0, 256], sizes = [512, 128], strides = [1, 1]} : vector<512x1024xf32> to vector<512x128xf32>
    %mul3A_311 = arith.constant 2.000000e+00 : f32
    %mul3A_312 = vector.broadcast %mul3A_311 : f32 to vector<512x128xf32>
    %mul3A_313 = arith.mulf %mul3A_312, %slice3A_310 : vector<512x128xf32>
    %sub3A_314 = arith.subf %add3A_309, %mul3A_313 : vector<512x128xf32>
    %lt3A_315 = arith.cmpf olt, %sub3A_314, %min3A_305 : vector<512x128xf32>
    %add3A_316 = arith.constant 2.560000e+02 : f32
    %add3A_317 = vector.broadcast %add3A_316 : f32 to vector<512x128xf32>
    %add3A_318 = arith.addf %convert_element_type3A_4, %add3A_317 : vector<512x128xf32>
    %select_n3A_319 = arith.select %lt3A_315, %add3A_318, %select_n3A_304 : vector<512x128xi1>, vector<512x128xf32>
    %min3A_320 = arith.minimumf %min3A_305, %sub3A_314 : vector<512x128xf32>
    %slice3A_321 = vector.extract_strided_slice %dot_general3A_3 {offsets = [0, 384], sizes = [1, 128], strides = [1, 1]} : vector<1x1024xf32> to vector<1x128xf32>
    %add3A_322 = vector.broadcast %slice3A_321 : vector<1x128xf32> to vector<512x128xf32>
    %add3A_323 = vector.broadcast %broadcast_in_dim3A_281 : vector<512x1xf32> to vector<512x128xf32>
    %add3A_324 = arith.addf %add3A_322, %add3A_323 : vector<512x128xf32>
    %slice3A_325 = vector.extract_strided_slice %dot_general3A_277 {offsets = [0, 384], sizes = [512, 128], strides = [1, 1]} : vector<512x1024xf32> to vector<512x128xf32>
    %mul3A_326 = arith.constant 2.000000e+00 : f32
    %mul3A_327 = vector.broadcast %mul3A_326 : f32 to vector<512x128xf32>
    %mul3A_328 = arith.mulf %mul3A_327, %slice3A_325 : vector<512x128xf32>
    %sub3A_329 = arith.subf %add3A_324, %mul3A_328 : vector<512x128xf32>
    %lt3A_330 = arith.cmpf olt, %sub3A_329, %min3A_320 : vector<512x128xf32>
    %add3A_331 = arith.constant 3.840000e+02 : f32
    %add3A_332 = vector.broadcast %add3A_331 : f32 to vector<512x128xf32>
    %add3A_333 = arith.addf %convert_element_type3A_4, %add3A_332 : vector<512x128xf32>
    %select_n3A_334 = arith.select %lt3A_330, %add3A_333, %select_n3A_319 : vector<512x128xi1>, vector<512x128xf32>
    %min3A_335 = arith.minimumf %min3A_320, %sub3A_329 : vector<512x128xf32>
    %slice3A_336 = vector.extract_strided_slice %dot_general3A_3 {offsets = [0, 512], sizes = [1, 128], strides = [1, 1]} : vector<1x1024xf32> to vector<1x128xf32>
    %add3A_337 = vector.broadcast %slice3A_336 : vector<1x128xf32> to vector<512x128xf32>
    %add3A_338 = vector.broadcast %broadcast_in_dim3A_281 : vector<512x1xf32> to vector<512x128xf32>
    %add3A_339 = arith.addf %add3A_337, %add3A_338 : vector<512x128xf32>
    %slice3A_340 = vector.extract_strided_slice %dot_general3A_277 {offsets = [0, 512], sizes = [512, 128], strides = [1, 1]} : vector<512x1024xf32> to vector<512x128xf32>
    %mul3A_341 = arith.constant 2.000000e+00 : f32
    %mul3A_342 = vector.broadcast %mul3A_341 : f32 to vector<512x128xf32>
    %mul3A_343 = arith.mulf %mul3A_342, %slice3A_340 : vector<512x128xf32>
    %sub3A_344 = arith.subf %add3A_339, %mul3A_343 : vector<512x128xf32>
    %lt3A_345 = arith.cmpf olt, %sub3A_344, %min3A_335 : vector<512x128xf32>
    %add3A_346 = arith.constant 5.120000e+02 : f32
    %add3A_347 = vector.broadcast %add3A_346 : f32 to vector<512x128xf32>
    %add3A_348 = arith.addf %convert_element_type3A_4, %add3A_347 : vector<512x128xf32>
    %select_n3A_349 = arith.select %lt3A_345, %add3A_348, %select_n3A_334 : vector<512x128xi1>, vector<512x128xf32>
    %min3A_350 = arith.minimumf %min3A_335, %sub3A_344 : vector<512x128xf32>
    %slice3A_351 = vector.extract_strided_slice %dot_general3A_3 {offsets = [0, 640], sizes = [1, 128], strides = [1, 1]} : vector<1x1024xf32> to vector<1x128xf32>
    %add3A_352 = vector.broadcast %slice3A_351 : vector<1x128xf32> to vector<512x128xf32>
    %add3A_353 = vector.broadcast %broadcast_in_dim3A_281 : vector<512x1xf32> to vector<512x128xf32>
    %add3A_354 = arith.addf %add3A_352, %add3A_353 : vector<512x128xf32>
    %slice3A_355 = vector.extract_strided_slice %dot_general3A_277 {offsets = [0, 640], sizes = [512, 128], strides = [1, 1]} : vector<512x1024xf32> to vector<512x128xf32>
    %mul3A_356 = arith.constant 2.000000e+00 : f32
    %mul3A_357 = vector.broadcast %mul3A_356 : f32 to vector<512x128xf32>
    %mul3A_358 = arith.mulf %mul3A_357, %slice3A_355 : vector<512x128xf32>
    %sub3A_359 = arith.subf %add3A_354, %mul3A_358 : vector<512x128xf32>
    %lt3A_360 = arith.cmpf olt, %sub3A_359, %min3A_350 : vector<512x128xf32>
    %add3A_361 = arith.constant 6.400000e+02 : f32
    %add3A_362 = vector.broadcast %add3A_361 : f32 to vector<512x128xf32>
    %add3A_363 = arith.addf %convert_element_type3A_4, %add3A_362 : vector<512x128xf32>
    %select_n3A_364 = arith.select %lt3A_360, %add3A_363, %select_n3A_349 : vector<512x128xi1>, vector<512x128xf32>
    %min3A_365 = arith.minimumf %min3A_350, %sub3A_359 : vector<512x128xf32>
    %slice3A_366 = vector.extract_strided_slice %dot_general3A_3 {offsets = [0, 768], sizes = [1, 128], strides = [1, 1]} : vector<1x1024xf32> to vector<1x128xf32>
    %add3A_367 = vector.broadcast %slice3A_366 : vector<1x128xf32> to vector<512x128xf32>
    %add3A_368 = vector.broadcast %broadcast_in_dim3A_281 : vector<512x1xf32> to vector<512x128xf32>
    %add3A_369 = arith.addf %add3A_367, %add3A_368 : vector<512x128xf32>
    %slice3A_370 = vector.extract_strided_slice %dot_general3A_277 {offsets = [0, 768], sizes = [512, 128], strides = [1, 1]} : vector<512x1024xf32> to vector<512x128xf32>
    %mul3A_371 = arith.constant 2.000000e+00 : f32
    %mul3A_372 = vector.broadcast %mul3A_371 : f32 to vector<512x128xf32>
    %mul3A_373 = arith.mulf %mul3A_372, %slice3A_370 : vector<512x128xf32>
    %sub3A_374 = arith.subf %add3A_369, %mul3A_373 : vector<512x128xf32>
    %lt3A_375 = arith.cmpf olt, %sub3A_374, %min3A_365 : vector<512x128xf32>
    %add3A_376 = arith.constant 7.680000e+02 : f32
    %add3A_377 = vector.broadcast %add3A_376 : f32 to vector<512x128xf32>
    %add3A_378 = arith.addf %convert_element_type3A_4, %add3A_377 : vector<512x128xf32>
    %select_n3A_379 = arith.select %lt3A_375, %add3A_378, %select_n3A_364 : vector<512x128xi1>, vector<512x128xf32>
    %min3A_380 = arith.minimumf %min3A_365, %sub3A_374 : vector<512x128xf32>
    %slice3A_381 = vector.extract_strided_slice %dot_general3A_3 {offsets = [0, 896], sizes = [1, 128], strides = [1, 1]} : vector<1x1024xf32> to vector<1x128xf32>
    %add3A_382 = vector.broadcast %slice3A_381 : vector<1x128xf32> to vector<512x128xf32>
    %add3A_383 = vector.broadcast %broadcast_in_dim3A_281 : vector<512x1xf32> to vector<512x128xf32>
    %add3A_384 = arith.addf %add3A_382, %add3A_383 : vector<512x128xf32>
    %slice3A_385 = vector.extract_strided_slice %dot_general3A_277 {offsets = [0, 896], sizes = [512, 128], strides = [1, 1]} : vector<512x1024xf32> to vector<512x128xf32>
    %mul3A_386 = arith.constant 2.000000e+00 : f32
    %mul3A_387 = vector.broadcast %mul3A_386 : f32 to vector<512x128xf32>
    %mul3A_388 = arith.mulf %mul3A_387, %slice3A_385 : vector<512x128xf32>
    %sub3A_389 = arith.subf %add3A_384, %mul3A_388 : vector<512x128xf32>
    %lt3A_390 = arith.cmpf olt, %sub3A_389, %min3A_380 : vector<512x128xf32>
    %add3A_391 = arith.constant 8.960000e+02 : f32
    %add3A_392 = vector.broadcast %add3A_391 : f32 to vector<512x128xf32>
    %add3A_393 = arith.addf %convert_element_type3A_4, %add3A_392 : vector<512x128xf32>
    %select_n3A_394 = arith.select %lt3A_390, %add3A_393, %select_n3A_379 : vector<512x128xi1>, vector<512x128xf32>
    %min3A_395 = arith.minimumf %min3A_380, %sub3A_389 : vector<512x128xf32>
    %reduce_min3A_396 = arith.constant dense<0x7F800000> : vector<512xf32>
    %reduce_min3A_397 = vector.multi_reduction <minimumf>, %min3A_395, %reduce_min3A_396 [1] : vector<512x128xf32> to vector<512xf32>
    %broadcast_in_dim3A_398 = vector.shape_cast %reduce_min3A_397 : vector<512xf32> to vector<512x1xf32>
    %eq3A_399 = vector.broadcast %broadcast_in_dim3A_398 : vector<512x1xf32> to vector<512x128xf32>
    %eq3A_400 = arith.cmpf oeq, %min3A_395, %eq3A_399 : vector<512x128xf32>
    %jit3A_401 = arith.constant 1.024000e+03 : f32
    %broadcast_in_dim3A_402 = vector.broadcast %jit3A_401 : f32 to vector<512x128xf32>
    %select_n3A_403 = arith.select %eq3A_400, %select_n3A_394, %broadcast_in_dim3A_402 : vector<512x128xi1>, vector<512x128xf32>
    %reduce_min3A_404 = arith.constant dense<0x7F800000> : vector<512xf32>
    %reduce_min3A_405 = vector.multi_reduction <minimumf>, %select_n3A_403, %reduce_min3A_404 [1] : vector<512x128xf32> to vector<512xf32>
    %broadcast_in_dim3A_406 = vector.shape_cast %reduce_min3A_405 : vector<512xf32> to vector<512x1xf32>
    %convert_element_type3A_407 = arith.fptosi %broadcast_in_dim3A_406 : vector<512x1xf32> to vector<512x1xi32>
    %swap3A_408 = arith.constant 1024 : index
    %swap3A_409 = arith.constant 0 : index
    %swap3A_410 = vector.load %arg3[%swap3A_408, %swap3A_409] : memref<2048x1xi32, #tpu.memory_space<vmem>>, vector<512x1xi32>
    tpu.vector_store %arg3[%swap3A_408, %swap3A_409], %convert_element_type3A_407 {strides = array<i32>} : memref<2048x1xi32, #tpu.memory_space<vmem>>, vector<512x1xi32>,
    %get3A_411 = arith.constant 1536 : index
    %get3A_412 = arith.constant 0 : index
    %get3A_413 = vector.load %arg1[%get3A_411, %get3A_412] : memref<2048x256xf32, #tpu.memory_space<vmem>>, vector<512x256xf32>
    %convert_element_type3A_414 = arith.truncf %get3A_413 : vector<512x256xf32> to vector<512x256xbf16>
    %dot_general3A_415 = arith.constant dense<0.000000e+00> : vector<512x1024xf32>
    %dot_general3A_416 = tpu.matmul %convert_element_type3A_414, %convert_element_type3A, %dot_general3A_415 {dimension_numbers = #tpu.dot_dimension_numbers<[1], [1], [0], [0], [0, 0, 1, 0], [], []>, transpose_lhs_hint = false} : vector<512x256xbf16>, vector<1024x256xbf16>, vector<512x1024xf32> -> vector<512x1024xf32>
    %mul3A_417 = arith.mulf %get3A_413, %get3A_413 : vector<512x256xf32>
    %reduce_sum3A_418 = arith.constant dense<0.000000e+00> : vector<512xf32>
    %reduce_sum3A_419 = vector.multi_reduction <add>, %mul3A_417, %reduce_sum3A_418 [1] : vector<512x256xf32> to vector<512xf32>
    %broadcast_in_dim3A_420 = vector.shape_cast %reduce_sum3A_419 : vector<512xf32> to vector<512x1xf32>
    %slice3A_421 = vector.extract_strided_slice %dot_general3A_3 {offsets = [0, 0], sizes = [1, 128], strides = [1, 1]} : vector<1x1024xf32> to vector<1x128xf32>
    %add3A_422 = vector.broadcast %slice3A_421 : vector<1x128xf32> to vector<512x128xf32>
    %add3A_423 = vector.broadcast %broadcast_in_dim3A_420 : vector<512x1xf32> to vector<512x128xf32>
    %add3A_424 = arith.addf %add3A_422, %add3A_423 : vector<512x128xf32>
    %slice3A_425 = vector.extract_strided_slice %dot_general3A_416 {offsets = [0, 0], sizes = [512, 128], strides = [1, 1]} : vector<512x1024xf32> to vector<512x128xf32>
    %mul3A_426 = arith.constant 2.000000e+00 : f32
    %mul3A_427 = vector.broadcast %mul3A_426 : f32 to vector<512x128xf32>
    %mul3A_428 = arith.mulf %mul3A_427, %slice3A_425 : vector<512x128xf32>
    %sub3A_429 = arith.subf %add3A_424, %mul3A_428 : vector<512x128xf32>
    %slice3A_430 = vector.extract_strided_slice %dot_general3A_3 {offsets = [0, 128], sizes = [1, 128], strides = [1, 1]} : vector<1x1024xf32> to vector<1x128xf32>
    %add3A_431 = vector.broadcast %slice3A_430 : vector<1x128xf32> to vector<512x128xf32>
    %add3A_432 = vector.broadcast %broadcast_in_dim3A_420 : vector<512x1xf32> to vector<512x128xf32>
    %add3A_433 = arith.addf %add3A_431, %add3A_432 : vector<512x128xf32>
    %slice3A_434 = vector.extract_strided_slice %dot_general3A_416 {offsets = [0, 128], sizes = [512, 128], strides = [1, 1]} : vector<512x1024xf32> to vector<512x128xf32>
    %mul3A_435 = arith.constant 2.000000e+00 : f32
    %mul3A_436 = vector.broadcast %mul3A_435 : f32 to vector<512x128xf32>
    %mul3A_437 = arith.mulf %mul3A_436, %slice3A_434 : vector<512x128xf32>
    %sub3A_438 = arith.subf %add3A_433, %mul3A_437 : vector<512x128xf32>
    %lt3A_439 = arith.cmpf olt, %sub3A_438, %sub3A_429 : vector<512x128xf32>
    %add3A_440 = arith.constant 1.280000e+02 : f32
    %add3A_441 = vector.broadcast %add3A_440 : f32 to vector<512x128xf32>
    %add3A_442 = arith.addf %convert_element_type3A_4, %add3A_441 : vector<512x128xf32>
    %select_n3A_443 = arith.select %lt3A_439, %add3A_442, %convert_element_type3A_4 : vector<512x128xi1>, vector<512x128xf32>
    %min3A_444 = arith.minimumf %sub3A_429, %sub3A_438 : vector<512x128xf32>
    %slice3A_445 = vector.extract_strided_slice %dot_general3A_3 {offsets = [0, 256], sizes = [1, 128], strides = [1, 1]} : vector<1x1024xf32> to vector<1x128xf32>
    %add3A_446 = vector.broadcast %slice3A_445 : vector<1x128xf32> to vector<512x128xf32>
    %add3A_447 = vector.broadcast %broadcast_in_dim3A_420 : vector<512x1xf32> to vector<512x128xf32>
    %add3A_448 = arith.addf %add3A_446, %add3A_447 : vector<512x128xf32>
    %slice3A_449 = vector.extract_strided_slice %dot_general3A_416 {offsets = [0, 256], sizes = [512, 128], strides = [1, 1]} : vector<512x1024xf32> to vector<512x128xf32>
    %mul3A_450 = arith.constant 2.000000e+00 : f32
    %mul3A_451 = vector.broadcast %mul3A_450 : f32 to vector<512x128xf32>
    %mul3A_452 = arith.mulf %mul3A_451, %slice3A_449 : vector<512x128xf32>
    %sub3A_453 = arith.subf %add3A_448, %mul3A_452 : vector<512x128xf32>
    %lt3A_454 = arith.cmpf olt, %sub3A_453, %min3A_444 : vector<512x128xf32>
    %add3A_455 = arith.constant 2.560000e+02 : f32
    %add3A_456 = vector.broadcast %add3A_455 : f32 to vector<512x128xf32>
    %add3A_457 = arith.addf %convert_element_type3A_4, %add3A_456 : vector<512x128xf32>
    %select_n3A_458 = arith.select %lt3A_454, %add3A_457, %select_n3A_443 : vector<512x128xi1>, vector<512x128xf32>
    %min3A_459 = arith.minimumf %min3A_444, %sub3A_453 : vector<512x128xf32>
    %slice3A_460 = vector.extract_strided_slice %dot_general3A_3 {offsets = [0, 384], sizes = [1, 128], strides = [1, 1]} : vector<1x1024xf32> to vector<1x128xf32>
    %add3A_461 = vector.broadcast %slice3A_460 : vector<1x128xf32> to vector<512x128xf32>
    %add3A_462 = vector.broadcast %broadcast_in_dim3A_420 : vector<512x1xf32> to vector<512x128xf32>
    %add3A_463 = arith.addf %add3A_461, %add3A_462 : vector<512x128xf32>
    %slice3A_464 = vector.extract_strided_slice %dot_general3A_416 {offsets = [0, 384], sizes = [512, 128], strides = [1, 1]} : vector<512x1024xf32> to vector<512x128xf32>
    %mul3A_465 = arith.constant 2.000000e+00 : f32
    %mul3A_466 = vector.broadcast %mul3A_465 : f32 to vector<512x128xf32>
    %mul3A_467 = arith.mulf %mul3A_466, %slice3A_464 : vector<512x128xf32>
    %sub3A_468 = arith.subf %add3A_463, %mul3A_467 : vector<512x128xf32>
    %lt3A_469 = arith.cmpf olt, %sub3A_468, %min3A_459 : vector<512x128xf32>
    %add3A_470 = arith.constant 3.840000e+02 : f32
    %add3A_471 = vector.broadcast %add3A_470 : f32 to vector<512x128xf32>
    %add3A_472 = arith.addf %convert_element_type3A_4, %add3A_471 : vector<512x128xf32>
    %select_n3A_473 = arith.select %lt3A_469, %add3A_472, %select_n3A_458 : vector<512x128xi1>, vector<512x128xf32>
    %min3A_474 = arith.minimumf %min3A_459, %sub3A_468 : vector<512x128xf32>
    %slice3A_475 = vector.extract_strided_slice %dot_general3A_3 {offsets = [0, 512], sizes = [1, 128], strides = [1, 1]} : vector<1x1024xf32> to vector<1x128xf32>
    %add3A_476 = vector.broadcast %slice3A_475 : vector<1x128xf32> to vector<512x128xf32>
    %add3A_477 = vector.broadcast %broadcast_in_dim3A_420 : vector<512x1xf32> to vector<512x128xf32>
    %add3A_478 = arith.addf %add3A_476, %add3A_477 : vector<512x128xf32>
    %slice3A_479 = vector.extract_strided_slice %dot_general3A_416 {offsets = [0, 512], sizes = [512, 128], strides = [1, 1]} : vector<512x1024xf32> to vector<512x128xf32>
    %mul3A_480 = arith.constant 2.000000e+00 : f32
    %mul3A_481 = vector.broadcast %mul3A_480 : f32 to vector<512x128xf32>
    %mul3A_482 = arith.mulf %mul3A_481, %slice3A_479 : vector<512x128xf32>
    %sub3A_483 = arith.subf %add3A_478, %mul3A_482 : vector<512x128xf32>
    %lt3A_484 = arith.cmpf olt, %sub3A_483, %min3A_474 : vector<512x128xf32>
    %add3A_485 = arith.constant 5.120000e+02 : f32
    %add3A_486 = vector.broadcast %add3A_485 : f32 to vector<512x128xf32>
    %add3A_487 = arith.addf %convert_element_type3A_4, %add3A_486 : vector<512x128xf32>
    %select_n3A_488 = arith.select %lt3A_484, %add3A_487, %select_n3A_473 : vector<512x128xi1>, vector<512x128xf32>
    %min3A_489 = arith.minimumf %min3A_474, %sub3A_483 : vector<512x128xf32>
    %slice3A_490 = vector.extract_strided_slice %dot_general3A_3 {offsets = [0, 640], sizes = [1, 128], strides = [1, 1]} : vector<1x1024xf32> to vector<1x128xf32>
    %add3A_491 = vector.broadcast %slice3A_490 : vector<1x128xf32> to vector<512x128xf32>
    %add3A_492 = vector.broadcast %broadcast_in_dim3A_420 : vector<512x1xf32> to vector<512x128xf32>
    %add3A_493 = arith.addf %add3A_491, %add3A_492 : vector<512x128xf32>
    %slice3A_494 = vector.extract_strided_slice %dot_general3A_416 {offsets = [0, 640], sizes = [512, 128], strides = [1, 1]} : vector<512x1024xf32> to vector<512x128xf32>
    %mul3A_495 = arith.constant 2.000000e+00 : f32
    %mul3A_496 = vector.broadcast %mul3A_495 : f32 to vector<512x128xf32>
    %mul3A_497 = arith.mulf %mul3A_496, %slice3A_494 : vector<512x128xf32>
    %sub3A_498 = arith.subf %add3A_493, %mul3A_497 : vector<512x128xf32>
    %lt3A_499 = arith.cmpf olt, %sub3A_498, %min3A_489 : vector<512x128xf32>
    %add3A_500 = arith.constant 6.400000e+02 : f32
    %add3A_501 = vector.broadcast %add3A_500 : f32 to vector<512x128xf32>
    %add3A_502 = arith.addf %convert_element_type3A_4, %add3A_501 : vector<512x128xf32>
    %select_n3A_503 = arith.select %lt3A_499, %add3A_502, %select_n3A_488 : vector<512x128xi1>, vector<512x128xf32>
    %min3A_504 = arith.minimumf %min3A_489, %sub3A_498 : vector<512x128xf32>
    %slice3A_505 = vector.extract_strided_slice %dot_general3A_3 {offsets = [0, 768], sizes = [1, 128], strides = [1, 1]} : vector<1x1024xf32> to vector<1x128xf32>
    %add3A_506 = vector.broadcast %slice3A_505 : vector<1x128xf32> to vector<512x128xf32>
    %add3A_507 = vector.broadcast %broadcast_in_dim3A_420 : vector<512x1xf32> to vector<512x128xf32>
    %add3A_508 = arith.addf %add3A_506, %add3A_507 : vector<512x128xf32>
    %slice3A_509 = vector.extract_strided_slice %dot_general3A_416 {offsets = [0, 768], sizes = [512, 128], strides = [1, 1]} : vector<512x1024xf32> to vector<512x128xf32>
    %mul3A_510 = arith.constant 2.000000e+00 : f32
    %mul3A_511 = vector.broadcast %mul3A_510 : f32 to vector<512x128xf32>
    %mul3A_512 = arith.mulf %mul3A_511, %slice3A_509 : vector<512x128xf32>
    %sub3A_513 = arith.subf %add3A_508, %mul3A_512 : vector<512x128xf32>
    %lt3A_514 = arith.cmpf olt, %sub3A_513, %min3A_504 : vector<512x128xf32>
    %add3A_515 = arith.constant 7.680000e+02 : f32
    %add3A_516 = vector.broadcast %add3A_515 : f32 to vector<512x128xf32>
    %add3A_517 = arith.addf %convert_element_type3A_4, %add3A_516 : vector<512x128xf32>
    %select_n3A_518 = arith.select %lt3A_514, %add3A_517, %select_n3A_503 : vector<512x128xi1>, vector<512x128xf32>
    %min3A_519 = arith.minimumf %min3A_504, %sub3A_513 : vector<512x128xf32>
    %slice3A_520 = vector.extract_strided_slice %dot_general3A_3 {offsets = [0, 896], sizes = [1, 128], strides = [1, 1]} : vector<1x1024xf32> to vector<1x128xf32>
    %add3A_521 = vector.broadcast %slice3A_520 : vector<1x128xf32> to vector<512x128xf32>
    %add3A_522 = vector.broadcast %broadcast_in_dim3A_420 : vector<512x1xf32> to vector<512x128xf32>
    %add3A_523 = arith.addf %add3A_521, %add3A_522 : vector<512x128xf32>
    %slice3A_524 = vector.extract_strided_slice %dot_general3A_416 {offsets = [0, 896], sizes = [512, 128], strides = [1, 1]} : vector<512x1024xf32> to vector<512x128xf32>
    %mul3A_525 = arith.constant 2.000000e+00 : f32
    %mul3A_526 = vector.broadcast %mul3A_525 : f32 to vector<512x128xf32>
    %mul3A_527 = arith.mulf %mul3A_526, %slice3A_524 : vector<512x128xf32>
    %sub3A_528 = arith.subf %add3A_523, %mul3A_527 : vector<512x128xf32>
    %lt3A_529 = arith.cmpf olt, %sub3A_528, %min3A_519 : vector<512x128xf32>
    %add3A_530 = arith.constant 8.960000e+02 : f32
    %add3A_531 = vector.broadcast %add3A_530 : f32 to vector<512x128xf32>
    %add3A_532 = arith.addf %convert_element_type3A_4, %add3A_531 : vector<512x128xf32>
    %select_n3A_533 = arith.select %lt3A_529, %add3A_532, %select_n3A_518 : vector<512x128xi1>, vector<512x128xf32>
    %min3A_534 = arith.minimumf %min3A_519, %sub3A_528 : vector<512x128xf32>
    %reduce_min3A_535 = arith.constant dense<0x7F800000> : vector<512xf32>
    %reduce_min3A_536 = vector.multi_reduction <minimumf>, %min3A_534, %reduce_min3A_535 [1] : vector<512x128xf32> to vector<512xf32>
    %broadcast_in_dim3A_537 = vector.shape_cast %reduce_min3A_536 : vector<512xf32> to vector<512x1xf32>
    %eq3A_538 = vector.broadcast %broadcast_in_dim3A_537 : vector<512x1xf32> to vector<512x128xf32>
    %eq3A_539 = arith.cmpf oeq, %min3A_534, %eq3A_538 : vector<512x128xf32>
    %jit3A_540 = arith.constant 1.024000e+03 : f32
    %broadcast_in_dim3A_541 = vector.broadcast %jit3A_540 : f32 to vector<512x128xf32>
    %select_n3A_542 = arith.select %eq3A_539, %select_n3A_533, %broadcast_in_dim3A_541 : vector<512x128xi1>, vector<512x128xf32>
    %reduce_min3A_543 = arith.constant dense<0x7F800000> : vector<512xf32>
    %reduce_min3A_544 = vector.multi_reduction <minimumf>, %select_n3A_542, %reduce_min3A_543 [1] : vector<512x128xf32> to vector<512xf32>
    %broadcast_in_dim3A_545 = vector.shape_cast %reduce_min3A_544 : vector<512xf32> to vector<512x1xf32>
    %convert_element_type3A_546 = arith.fptosi %broadcast_in_dim3A_545 : vector<512x1xf32> to vector<512x1xi32>
    %swap3A_547 = arith.constant 1536 : index
    %swap3A_548 = arith.constant 0 : index
    %swap3A_549 = vector.load %arg3[%swap3A_547, %swap3A_548] : memref<2048x1xi32, #tpu.memory_space<vmem>>, vector<512x1xi32>
    tpu.vector_store %arg3[%swap3A_547, %swap3A_548], %convert_element_type3A_546 {strides = array<i32>} : memref<2048x1xi32, #tpu.memory_space<vmem>>, vector<512x1xi32>,
    return
  }
  func.func @transform_0(%arg0: i32) -> (i32, i32) {
    %c0_i32 = arith.constant 0 : i32
    %c0_i32_0 = arith.constant 0 : i32
    %c0_i32_1 = arith.constant 0 : i32
    return %c0_i32, %c0_i32_0 : i32, i32
  }
  func.func @transform_1(%arg0: i32) -> (i32, i32) {
    %c0_i32 = arith.constant 0 : i32
    %c0_i32_0 = arith.constant 0 : i32
    %c0_i32_1 = arith.constant 0 : i32
    return %c0_i32, %c0_i32_0 : i32, i32
  }
  func.func @transform_2(%arg0: i32) -> (i32, i32) {
    %c0_i32 = arith.constant 0 : i32
    %c0_i32_0 = arith.constant 0 : i32
    %c0_i32_1 = arith.constant 0 : i32
    return %c0_i32, %c0_i32_0 : i32, i32
  }
}

</mosaic_0001>

<sc_bundles>
// kernel: kernel.4.cloned.1.call-start
scs
__scs_entry_jumppad:
0x0: {  	(pc) =	sbr.rel $0x88, $3  }
0x1: {  	(tag) =	ssettag $0x0;
	lr =	simm.s32 $0x1  }
0x2: {  	[smem:$0x3F9F] =	sst lr;
	_ =	strace $0xD0000000  }
0x3: {  	_ = 	snop  }
0x4: {  	_ = 	snop  }
0x5: {  	_ = 	snop  }
0x6: {  	_ = 	snop  }
0x7: {  	_ = 	snop  }
__scs_overlays_trampoline_lowered:
0x8: {  	[smem:$0x3FAE] =	sst s0  }
0x9: {  	[smem:$0x3FAF] =	sst s1  }
0xa: {  	[smem:$0x3FB0] =	sst s2  }
0xb: {  	[smem:$0x3FB1] =	sst s3  }
0xc: {  	[smem:$0x3FB2] =	sst s4  }
0xd: {  	[smem:$0x3FB3] =	sst s5  }
0xe: {  	[smem:$0x3FB4] =	sst s6  }
0xf: {  	[smem:$0x3FB5] =	sst s7  }
0x10: {  	[smem:$0x3FB6] =	sst s8  }
0x11: {  	[smem:$0x3FB7] =	sst s9;
	s0 =	simm.s32 @!p0 $0x0  }
0x12: {  	s1 =	sld [smem:$0x3F9D];
	s0 =	simm.s32 @p0 $0x1  }
0x13: {  	[smem:$0x3FB8] =	sst s0;
	s0 =	simm.s32 @!p1 $0x0  }
0x14: {  	s2 =	sld [smem:$0x3F9C];
	s0 =	simm.s32 @p1 $0x1  }
0x15: {  	[smem:$0x3FB9] =	sst s0;
	s0 =	simm.s32 @!p2 $0x0  }
0x16: {  	s3 =	sld [smem:$0x3FDB];
	s0 =	simm.s32 @p2 $0x1  }
0x17: {  	s4 =	simm.s32 $0x1BF5;
	[smem:$0x3FBB] =	sst s0  }
0x18: {  	s0 =	sld [smem:$0x3F9E];
	_ =	swait.ge [sflag:s4], $0x0  }
0x19: {  	s7 =	sld [smem:$0x3F9F]  }
0x1a: {  	s8 =	sadd.s32 $0xFFFFE003, lr  }
0x1b: {  	s9 =	sadd.s32 $0xFFFFFEF7, lr;
	s5 =	simm.s32 $0xFFFFFFFF;
	p2 =	slt.u32 s8, $0xFFFFF086  }
0x1c: {  	p1 =	slt.u32 s9, $0xF7A;
	s5 =	simm.s32 @!p2 $0x0  }
0x1d: {  	s5 =	simm.s32 @p1 $0x1;
	p0 =	seq.s32 s7, s2  }
0x1e: {  	s7 =	smul.u32 @!p0 $0xF7A, s2;
	p2 =	seq.s32 @!p0 s5, $0x0  }
0x1f: {  	s9 =	smul.u32 $0xF7A, s1;
	s8 =	simm.s32 @!p0 $0x1BF5;
	p2 =	por !p2, p0  }
0x20: {  	[sflag:s8] =	ssyncset.s32 @!p0 $0xFFFFF086;
	s6 =	sadd.s32 @!p0 s3, s7;
	s7 =	simm.s32 @!p0 $0x108  }
0x21: {  	s3 =	sadd.s32 s3, s9;
	s6 =	sadd.s32 @!p0 $0x88, s6;
	s7 =	simm.s32 @p2 $0x1082  }
0x22: {  	[simem:s7], [sflag:s8] =	dma.local @!p0 [hbm:s6], $0xF7A  }
0x23: {  	s9 =	sor.u32 $0xD0000000, s2;
	s6 =	simm.s32 $0x108;
	_ =	swait.ge @!p0 [sflag:s8], $0x0  }
0x24: {  	s3 =	sadd.s32 $0x88, s3;
	s6 =	simm.s32 @!p1 $0x1082;
	[sflag:s4] =	ssyncset.s32 $0xFFFFF086  }
0x25: {  	[simem:s6], [sflag:s4] =	dma.local [hbm:s3], $0xF7A  }
0x26: {  	[smem:$0x3F9F] =	sst s1;
	(tag) =	ssettag s2;
	_ =	strace s9  }
0x27: {  	s1 =	sld [smem:$0x3FAF]  }
0x28: {  	s2 =	sld [smem:$0x3FB0]  }
0x29: {  	s4 =	sld [smem:$0x3FB2]  }
0x2a: {  	p0 =	seq.s32 s5, $0x0;
	s5 =	sld [smem:$0x3FB3]  }
0x2b: {  	s6 =	sld [smem:$0x3FB4]  }
0x2c: {  	s7 =	sld [smem:$0x3FB5]  }
0x2d: {  	s3 =	simm.s32 $0x108;
	s8 =	sld [smem:$0x3FB6]  }
0x2e: {  	s3 =	simm.s32 @!p0 $0x1082;
	s9 =	sld [smem:$0x3FB7]  }
0x2f: {  	lr =	sadd.s32 s0, s3;
	s0 =	sld [smem:$0x3FAE]  }
0x30: {  	s3 =	sld [smem:$0x3FB1]  }
0x31: {  	[smem:$0x3FBA] =	sst s10  }
0x32: {  	s10 =	sld [smem:$0x3FB8];
	_ =	sdelay $0x3  }
0x33: {  	p0 =	seq.s32 s10, $0x1;
	s10 =	sld [smem:$0x3FBA];
	_ =	sdelay $0x3  }
0x34: {  	[smem:$0x3FBA] =	sst s10  }
0x35: {  	s10 =	sld [smem:$0x3FB9];
	_ =	sdelay $0x3  }
0x36: {  	p1 =	seq.s32 s10, $0x1;
	s10 =	sld [smem:$0x3FBA];
	_ =	sdelay $0x3  }
0x37: {  	[smem:$0x3FBA] =	sst s10  }
0x38: {  	s10 =	sld [smem:$0x3FBB]  }
0x39: {  	_ = 	snop;
	(pc) =	sbr.ind lr, $3  }
0x3a: {  	_ = 	snop  }
0x3b: {  	_ = 	snop  }
0x3c: {  	p2 =	seq.s32 s10, $0x1;
	s10 =	sld [smem:$0x3FBA]  }
0x3d: {  	_ =	shalt  }
0x3e: {  	_ =	shalt  }
0x3f: {  	_ =	shalt  }
0x40: {  	_ =	shalt  }
0x41: {  	_ =	shalt  }
0x42: {  	_ =	shalt  }
0x43: {  	_ =	shalt  }
0x44: {  	_ =	shalt  }
0x45: {  	_ =	shalt  }
0x46: {  	_ =	shalt  }
0x47: {  	_ =	shalt  }
0x48: {  	_ =	shalt  }
0x49: {  	_ =	shalt  }
0x4a: {  	_ =	shalt  }
0x4b: {  	_ =	shalt  }
0x4c: {  	_ =	shalt  }
0x4d: {  	_ =	shalt  }
0x4e: {  	_ =	shalt  }
0x4f: {  	_ =	shalt  }
0x50: {  	_ =	shalt  }
0x51: {  	_ =	shalt  }
0x52: {  	_ =	shalt  }
0x53: {  	_ =	shalt  }
0x54: {  	_ =	shalt  }
0x55: {  	_ =	shalt  }
0x56: {  	_ =	shalt  }
0x57: {  	_ =	shalt  }
0x58: {  	_ =	shalt  }
0x59: {  	_ =	shalt  }
0x5a: {  	_ =	shalt  }
0x5b: {  	_ =	shalt  }
0x5c: {  	_ =	shalt  }
0x5d: {  	_ =	shalt  }
0x5e: {  	_ =	shalt  }
0x5f: {  	_ =	shalt  }
0x60: {  	_ =	shalt  }
0x61: {  	_ =	shalt  }
0x62: {  	_ =	shalt  }
0x63: {  	_ =	shalt  }
0x64: {  	_ =	shalt  }
0x65: {  	_ =	shalt  }
0x66: {  	_ =	shalt  }
0x67: {  	_ =	shalt  }
0x68: {  	_ =	shalt  }
0x69: {  	_ =	shalt  }
0x6a: {  	_ =	shalt  }
0x6b: {  	_ =	shalt  }
0x6c: {  	_ =	shalt  }
0x6d: {  	_ =	shalt  }
0x6e: {  	_ =	shalt  }
0x6f: {  	_ =	shalt  }
0x70: {  	_ =	shalt  }
0x71: {  	_ =	shalt  }
0x72: {  	_ =	shalt  }
0x73: {  	_ =	shalt  }
0x74: {  	_ =	shalt  }
0x75: {  	_ =	shalt  }
0x76: {  	_ =	shalt  }
0x77: {  	_ =	shalt  }
0x78: {  	_ =	shalt  }
0x79: {  	_ =	shalt  }
0x7a: {  	_ =	shalt  }
0x7b: {  	_ =	shalt  }
0x7c: {  	_ =	shalt  }
0x7d: {  	_ =	shalt  }
0x7e: {  	_ =	shalt  }
0x7f: {  	_ =	shalt  }
0x80: {  	_ =	shalt  }
0x81: {  	_ =	shalt  }
0x82: {  	_ =	shalt  }
0x83: {  	_ =	shalt  }
0x84: {  	_ =	shalt  }
0x85: {  	_ =	shalt  }
0x86: {  	_ =	shalt  }
0x87: {  	_ =	shalt  }
.Lfunc_end0:
.L_simem_size_0:
called_computation_lowered:
.L_overlay_start_0:
0x88: {  	s2 =	sld [smem:$0x3FD9]  }
0x89: {  	s3 =	sld [smem:$0x3FFE];
	_ =	sdelay $0x1  }
0x8a: {  	s1 =	srdreg.scid  }
0x8b: {  	s0 =	sand.u32 $0x1, s1  }
0x8c: {  	s17 =	sshll.u32 s0, $0xA;
	s2 =	sadd.s32 s3, s2  }
0x8d: {  	s2 =	sadd.s32 s2, s17  }
0x8e: {  	[smem:$0x3FC6] =	sst s2  }
0x8f: {  	_ = 	snop  }
0x90: {  	s2 =	sld [smem:$0x3FC8]  }
0x91: {  	s18 =	sld [smem:$0x3FD0];
	(tm) =	ssettm $0x1  }
0x92: {  	s4 =	sld [smem:$0x3FFB];
	_ =	sdelay $0x3  }
0x93: {  	_ =	strace s4  }
0x94: {  	s4 =	sld [smem:$0x3FFC];
	_ =	sdelay $0x3  }
0x95: {  	_ =	strace s4  }
0x96: {  	s4 =	sld [smem:$0x3FFD];
	_ =	sdelay $0x3  }
0x97: {  	_ =	strace s4  }
0x98: {  	_ =	strace $0x8FFFFFFF  }
0x99: {  	s19 =	sld [smem:$0x3FDB];
	_ =	sdelay $0x1  }
0x9a: {  	s5 =	simm.s32 $_scs_section_size  }
0x9b: {  	s6 =	simm.s32 $_size__tile_overlayer_lowered;
	s7 =	simm.s32 $_tile_overlayer_lowered  }
0x9c: {  	s22 =	simm.s32 $0x1BFF;
	s21 =	sshll.u32 s7, $0x1;
	s4 =	sadd.s32 s5, s19  }
0x9d: {  	s8 =	simm.s32 $0x0;
	s20 =	sshll.u32 s6, $0x1;
	s6 =	sadd.s32 s21, s4  }
0x9e: {  	[timem:s8], [sflag:s22] =	dma.local [hbm:s6], s20  }
0x9f: {  	_ =	swait.ge [sflag:s22], s20  }
0xa0: {  	s5 =	ssub.s32 $0x0, s20;
	[sflag:s22] =	ssyncset.done $0x0  }
0xa1: {  	[sflag:s22] =	ssyncadd.s32 s5;
	_ =	sdelay $0x1  }
0xa2: {  	s23 =	simm.s32 $0x1B8B  }
0xa3: {  	_ =	swait.ge [sflag:s23], $0x1  }
0xa4: {  	[sflag:s23] =	ssyncset.done $0x0  }
0xa5: {  	s25 =	simm.s32 $0x1B8E;
	s24 =	sld [smem:$0x3FFE];
	[sflag:s23] =	ssyncadd.s32 $0xFFFFFFFF  }
0xa6: {  	s26 =	simm.s32 $execute0_lowered;
	[smem:$0x3FD2] =	sst s25  }
0xa7: {  	s6 =	sshll.u32 s26, $0x1;
	_ =	strace $0x80000046;
	[dreg:$0x1] =	wrdreg $0xFFFFFFFF  }
0xa8: {  	s28 =	simm.s32 $_size_execute0_lowered;
	s4 =	sadd.s32 s4, s6;
	[dreg:$0x0] =	wrdreg $0x0  }
0xa9: {  	s6 =	sshll.u32 s28, $0x1;
	[dreg:$0x2] =	wrdreg s4  }
0xaa: {  	[dreg:$0x3] =	wrdreg s6  }
0xab: {  	[dreg:$0x4] =	wrdreg $0xC0  }
0xac: {  	_ =	task [dreg:s8], $0x5FFFF  }
0xad: {  	[dreg:$0x1] =	wrdreg $0xFFFFFFFF  }
0xae: {  	[dreg:$0x0] =	wrdreg $0x60  }
0xaf: {  	[dreg:$0x2] =	wrdreg s2  }
0xb0: {  	[dreg:$0x3] =	wrdreg s24  }
0xb1: {  	[dreg:$0x4] =	wrdreg s18  }
0xb2: {  	[dreg:$0x5] =	wrdreg $0x9  }
0xb3: {  	_ =	task.clear_ibuf [dreg:s8], $0x6FFFF;
	_ =	strace $0x90000046  }
0xb4: {  	s29 =	simm.s32 $0x9;
	_ =	strace $0x80000048  }
0xb5: {  	_ =	swait.ge [sflag:s29], $0x1  }
0xb6: {  	[sflag:s29] =	ssyncadd.s32 $0xFFFFFFFF  }
0xb7: {  	_ =	strace $0x90000048  }
0xb8: {  	_ =	sfence  }
0xb9: {  	s30 =	sld [smem:$0x0];
	_ =	sdelay $0x2  }
0xba: {  	s31 =	sshll.u32 s1, $0xD;
	s1 =	sshrl.u32 s1, $0x2  }
0xbb: {  	s3 =	sand.u32 $0x4000, s31;
	s1 =	sadd.s32 s1, s30  }
0xbc: {  	s0 =	sor.u32 s3, s0;
	s1 =	sshll.u32 s1, $0x11  }
0xbd: {  	s0 =	sor.u32 s1, s0  }
0xbe: {  	s0 =	sadd.s32 $0x8F2B, s0  }
0xbf: {  	[sflag:s0] =	ssyncadd.remote.s32 $0x1  }
0xc0: {  	_ =	sfence.sel $0xFFFF  }
0xc1: {  	[dreg:$0x0] =	wrdreg $0xFFFFFFFF;
	(pc) =	sbr.abs _section_cstart, $3  }
0xc2: {  	[dreg:$0x1] =	wrdreg $0xFFFFFFFF  }
0xc3: {  	_ =	task.clear_ibuf [dreg:s8], $0x2FFFF;
	_ =	strace $0x9FFFFFFF  }
0xc4: {  	(tm) =	ssettm $0x7FFFFFFF  }
0xc5: {  	_ =	shalt  }
tec
execute0_lowered:
.L_overlay_start_1:
0x0: {  	(tag) =	ssettag $0x1  }
0x1: {  	s1 =	rddreg [dreg:$0x0]  }
0x2: {  	s2 =	srdreg.scid;
	s4 =	rddreg [dreg:$0x1]  }
0x3: {  	s0 =	stileid.u32;
	s6 =	rddreg [dreg:$0x2]  }
0x4: {  	s3 =	simm.s32 $0x0;
	s9 =	simm.s32 $0x880;
	s10 =	simm.s32 $0x1080  }
0x5: {  	s11 =	simm.s32 $0x1880;
	s12 =	simm.s32 $0x2080;
	s13 =	simm.s32 $0x2880  }
0x6: {  	s14 =	simm.s32 $0x3080;
	s15 =	simm.s32 $0x3880;
	s16 =	simm.s32 $0x1  }
0x7: {  	s5 =	sand.u32 $0x1, s2;
	s7 =	sshll.u32 s0, $0x7;
	s2 =	rddreg [dreg:$0x3]  }
0x8: {  	[smem:$0x7FF] =	sst s3;
	s8 =	sshll.u32 s5, $0x6;
	s5 =	ssub.s32 $0x2, s5  }
0x9: {  	_ =	strace $0x80000047;
	s7 =	sor.u32 s8, s7;
	s30 =	sshrl.u32 s5, $0x1  }
0xa: {  	v2 =	vlaneseq.u32;
	s8 =	sshrl.u32 s7, $0x3;
	s31 =	sshll.u32 s7, $0x5;
	s7 =	simm.s32 $0x2  }
0xb: {  	vm0 =	vmmov $0xffff;
	v1 =	vshrl.u32 v2, $0x3;
	s4 =	sadd.s32 s8, s4;
	s8 =	ssub.s32 s5, s30;
	s5 =	sadd.s32 s6, s31  }
0xc: {  	v0 =	vand.u32 $0x7, v2;
	v2 =	vor.u32 $0x8, v2;
	v1 =	vmul.u32 $0x8, v1;
	s4 =	sadd.s32 $0x400, s4;
	s6 =	smax.u32 s8, $0x1;
	s8 =	simm.s32 $0x80  }
.LBB2_1:
0xd: {  	[tilespmem:s3], [sflag:$0x2] =	stream.linear.gather [hbm4b:s4+s3], $0x40, $0x38;
	[tilespmem:$0x4080] =	vst v63  }
0xe: {  	_ =	swait.ge [sflag:s7], $0x40  }
0xf: {  	[sflag:s7] =	ssyncset.done $0x0  }
0x10: {  	[sflag:s7] =	ssyncadd.s32 $0xFFFFFFC0  }
0x11: {  	v3 =	vld [tilespmem:$0x0];
	_ =	sdelay $0x4  }
0x12: {  	v4 =	vshll.u32 v3, $0x1  }
0x13: {  	v3 =	vand.u32 $0x7, v3;
	v4 =	vand.u32 $0xFFFFFFF0, v4  }
0x14: {  	v3 =	vor.u32 v3, v4  }
0x15: {  	v4 =	vperm.xlane v3, v0;
	_ =	sdelay $0x1  }
0x16: {  	v3 =	vperm.xlane v3, v2;
	v4 =	vadd.s32 v1, v4;
	_ =	sdelay $0x1  }
0x17: {  	v3 =	vadd.s32 v1, v3;
	_ =	sdelay $0x2  }
0x18: {  	[tilespmem:s8], [sflag:$0x1] =	stream.indirect_vreg.gather [hbm4b:s1+s3], $0x80, v4, vm0, $0xb8;
	[tilespmem:$0x4080] =	vst v63  }
0x19: {  	_ = 	snop  }
0x1a: {  	[tilespmem:s9], [sflag:$0x1] =	stream.indirect_vreg.gather [hbm4b:s1+s3], $0x80, v3, vm0, $0xb8;
	[tilespmem:$0x4080] =	vst v63  }
0x1b: {  	v3 =	vld [tilespmem:$0x10];
	_ =	sdelay $0x4  }
0x1c: {  	v61 =	vshll.u32 v3, $0x1  }
0x1d: {  	v3 =	vand.u32 $0x7, v3;
	v4 =	vand.u32 $0xFFFFFFF0, v61  }
0x1e: {  	v3 =	vor.u32 v3, v4  }
0x1f: {  	v4 =	vperm.xlane v3, v0;
	_ =	sdelay $0x1  }
0x20: {  	v3 =	vperm.xlane v3, v2;
	v4 =	vadd.s32 v1, v4;
	_ =	sdelay $0x1  }
0x21: {  	v3 =	vadd.s32 v1, v3;
	_ =	sdelay $0x2  }
0x22: {  	[tilespmem:s10], [sflag:$0x1] =	stream.indirect_vreg.gather [hbm4b:s1+s3], $0x80, v4, vm0, $0xb8;
	[tilespmem:$0x4080] =	vst v63  }
0x23: {  	_ = 	snop  }
0x24: {  	[tilespmem:s11], [sflag:$0x1] =	stream.indirect_vreg.gather [hbm4b:s1+s3], $0x80, v3, vm0, $0xb8;
	[tilespmem:$0x4080] =	vst v63  }
0x25: {  	v3 =	vld [tilespmem:$0x20];
	_ =	sdelay $0x4  }
0x26: {  	v62 =	vshll.u32 v3, $0x1  }
0x27: {  	v3 =	vand.u32 $0x7, v3;
	v4 =	vand.u32 $0xFFFFFFF0, v62  }
0x28: {  	v3 =	vor.u32 v3, v4  }
0x29: {  	v4 =	vperm.xlane v3, v0;
	_ =	sdelay $0x1  }
0x2a: {  	v3 =	vperm.xlane v3, v2;
	v4 =	vadd.s32 v1, v4;
	_ =	sdelay $0x1  }
0x2b: {  	v3 =	vadd.s32 v1, v3;
	_ =	sdelay $0x2  }
0x2c: {  	[tilespmem:s12], [sflag:$0x1] =	stream.indirect_vreg.gather [hbm4b:s1+s3], $0x80, v4, vm0, $0xb8;
	[tilespmem:$0x4080] =	vst v63  }
0x2d: {  	_ = 	snop  }
0x2e: {  	[tilespmem:s13], [sflag:$0x1] =	stream.indirect_vreg.gather [hbm4b:s1+s3], $0x80, v3, vm0, $0xb8;
	[tilespmem:$0x4080] =	vst v63  }
0x2f: {  	v3 =	vld [tilespmem:$0x30];
	_ =	sdelay $0x4  }
0x30: {  	v63 =	vshll.u32 v3, $0x1  }
0x31: {  	v3 =	vand.u32 $0x7, v3;
	v4 =	vand.u32 $0xFFFFFFF0, v63  }
0x32: {  	v3 =	vor.u32 v3, v4  }
0x33: {  	v4 =	vperm.xlane v3, v0;
	_ =	sdelay $0x1  }
0x34: {  	v3 =	vperm.xlane v3, v2;
	v4 =	vadd.s32 v1, v4;
	_ =	sdelay $0x1  }
0x35: {  	v3 =	vadd.s32 v1, v3;
	_ =	sdelay $0x2  }
0x36: {  	[tilespmem:s14], [sflag:$0x1] =	stream.indirect_vreg.gather [hbm4b:s1+s3], $0x80, v4, vm0, $0xb8;
	[tilespmem:$0x4080] =	vst v63  }
0x37: {  	_ = 	snop  }
0x38: {  	[tilespmem:s15], [sflag:$0x1] =	stream.indirect_vreg.gather [hbm4b:s1+s3], $0x80, v3, vm0, $0xb8;
	[tilespmem:$0x4080] =	vst v63  }
0x39: {  	_ =	swait.ge [sflag:s16], $0x4000  }
0x3a: {  	p0 =	sne.s32 s6, $0x1;
	[sflag:s16] =	ssyncset.done $0x0  }
.Ltmp0:
0x3b: {  	[sflag:s16] =	ssyncadd.s32 $0xFFFFC000;
	(pc) =	sbr.rel @p0 .LBB2_1-.Ltmp0, $4  }
0x3c: {  	[hbm4b:s5+s3] =	stream.linear.scatter [tilespmem:s8], [sflag:$0x2], $0x4000, $0x38;
	[tilespmem:$0x4080] =	vst v63  }
0x3d: {  	_ =	swait.ge [sflag:s7], $0x4000  }
0x3e: {  	[sflag:s7] =	ssyncset.done $0x0  }
0x3f: {  	s6 =	sadd.s32 $0xFFFFFFFF, s6;
	[sflag:s7] =	ssyncadd.s32 $0xFFFFC000  }
0x40: {  	_ =	sfence.sel $0x180000  }
0x41: {  	[bflag:$0x0] =	sbarrier.arrive $0xFFFF  }
0x42: {  	p0 =	sne.s32 s0, $0x0;
	_ =	strace $0x90000047  }
0x43: {  	s0 =	sadd.s32 @!p0 $0x100000, s2;
	[bflag:$0x2] =	sbarrier.arrive $0xFFFF  }
0x44: {  	[sflag:s0] =	ssyncadd.tile.s32 @!p0 $0x1;
	_ =	shalt  }
.Lfunc_end2:
_tile_overlayer_lowered:
.L_overlay_start_2:
0x45: {  	(tag) =	ssettag $0x2  }
0x46: {  	s0 =	rddreg [dreg:$0x0];
	s2 =	stileid.u32  }
0x47: {  	s1 =	rddreg [dreg:$0x1];
	p0 =	sne.s32 s2, $0x0  }
0x48: {  	s3 =	rddreg [dreg:$0x2];
	[bflag:$0x3] =	sbarrier.arrive $0xFFFF;
	s2 =	simm.s32 @!p0 $0x1C02  }
0x49: {  	[timem:s3], [sflag:s2] =	dma.local @!p0 [hbm:s0], s1  }
0x4a: {  	s0 =	simm.s32 @!p0 $0x2  }
0x4b: {  	_ =	swait.ge @!p0 [sflag:s0], s1  }
0x4c: {  	s1 =	ssub.s32 @!p0 $0x0, s1;
	[sflag:s0] =	ssyncset.done @!p0 $0x0  }
0x4d: {  	[sflag:s0] =	ssyncadd.s32 @!p0 s1  }
0x4e: {  	[bflag:$0x3] =	sbarrier.arrive $0xFFFF  }
0x4f: {  	_ =	shalt  }

</sc_bundles>
